<compile_context>
chip_gen: v7x
topology: tpu7x:2x2x1
jax: 0.10.2.dev20260603
libtpu: 0.0.44.dev20260713+nightly
codegen_flags: <defaults>
</compile_context>

<pallas_src>
import functools

import jax
import jax.numpy as jnp
from jax import lax
from jax.experimental import pallas as pl
from jax.experimental.pallas import tpu as pltpu
from jax.experimental.pallas import tpu_sc as plsc

BATCH = 16384
DIM = 64
LANES = 16
GRPS = DIM // LANES

_info = plsc.get_sparse_core_info()
NC, NS = _info.num_cores, _info.num_subcores
NW = NC * NS
PER_W = BATCH // NW
CHUNK = 256
NCHUNK = PER_W // CHUNK
KIDX = 128
NK = CHUNK // KIDX


def _tec_body(head_hbm, rel_hbm, tail_hbm, ent_hbm, rel_emb_hbm,
              rel_hyper_hbm, out_hbm,
              hidx, tidx, ridx, h_v, t_v, r_v, rh_v, sem):
    wid = lax.axis_index("s") * NC + lax.axis_index("c")
    wbase = wid * PER_W
    lane = lax.iota(jnp.int32, LANES)
    perms = [jnp.bitwise_xor(lane, s) for s in (1, 2, 4, 8)]

    for c in range(NCHUNK):
        base = wbase + c * CHUNK
        for k in range(NK):
            off = base + k * KIDX
            pltpu.sync_copy(head_hbm.at[pl.ds(off, KIDX)], hidx.at[k])
            pltpu.sync_copy(tail_hbm.at[pl.ds(off, KIDX)], tidx.at[k])
            pltpu.sync_copy(rel_hbm.at[pl.ds(off, KIDX)], ridx.at[k])
        cps = []
        for k in range(NK):
            dst = pl.ds(k * KIDX, KIDX)
            cps.append(pltpu.async_copy(ent_hbm.at[hidx.at[k]],
                                        h_v.at[dst], sem))
            cps.append(pltpu.async_copy(ent_hbm.at[tidx.at[k]],
                                        t_v.at[dst], sem))
            cps.append(pltpu.async_copy(rel_emb_hbm.at[ridx.at[k]],
                                        r_v.at[dst], sem))
            cps.append(pltpu.async_copy(rel_hyper_hbm.at[ridx.at[k]],
                                        rh_v.at[dst], sem))
        for cp in cps:
            cp.wait()

        def row(i, _):
            u = []
            rh = []
            for j in range(GRPS):
                sl = pl.ds(j * LANES, LANES)
                u.append(h_v[i, sl] - t_v[i, sl])
                rh.append(rh_v[i, sl])
            acc = u[0] * rh[0]
            for j in range(1, GRPS):
                acc = acc + u[j] * rh[j]
            for p in perms:
                acc = acc + acc.at[p].get(mode="promise_in_bounds")
            for j in range(GRPS):
                sl = pl.ds(j * LANES, LANES)
                h_v[i, sl] = u[j] + r_v[i, sl] - rh[j] * acc
            return 0

        lax.fori_loop(0, CHUNK, row, 0)
        pltpu.sync_copy(h_v, out_hbm.at[pl.ds(base, CHUNK)])


@jax.jit
def kernel(head, relation, tail, ent_emb, rel_emb, rel_hyper):
    mesh = plsc.VectorSubcoreMesh(core_axis_name="c", subcore_axis_name="s")
    run = functools.partial(
        pl.kernel,
        mesh=mesh,
        out_type=jax.ShapeDtypeStruct((BATCH, DIM), jnp.float32),
        scratch_types=[
            pltpu.VMEM((NK, KIDX), jnp.int32),
            pltpu.VMEM((NK, KIDX), jnp.int32),
            pltpu.VMEM((NK, KIDX), jnp.int32),
            pltpu.VMEM((CHUNK, DIM), jnp.float32),
            pltpu.VMEM((CHUNK, DIM), jnp.float32),
            pltpu.VMEM((CHUNK, DIM), jnp.float32),
            pltpu.VMEM((CHUNK, DIM), jnp.float32),
            pltpu.SemaphoreType.DMA,
        ],
        compiler_params=pltpu.CompilerParams(use_tc_tiling_on_sc=False),
    )(_tec_body)
    return run(head.astype(jnp.int32), relation.astype(jnp.int32),
               tail.astype(jnp.int32), ent_emb, rel_emb, rel_hyper)

# --- scband reference (transcript-rebuilt; emitter-appended) ---
"""Pipeline reference for scband-trans-h-61933428417131 (READ-ONLY COPY).

The authoritative reference and input builder live on the scoring server;
editing this copy changes nothing except your own understanding.
"""

import jax, jax.numpy as jnp
import numpy as np

ENT_SIZE = 1000000
REL_SIZE = 1000
EMB_DIM = 64
BATCH = 16384

def setup_inputs(seed: int = 0) -> dict:
    key = jax.random.key(seed)
    k1, k2, k3, k4, k5, k6 = jax.random.split(key, 6)
    head = jax.random.randint(k1, (BATCH,), 0, ENT_SIZE, dtype=jnp.int64 if jax.config.jax_enable_x64 else jnp.int32)
    relation = jax.random.randint(k2, (BATCH,), 0, REL_SIZE, dtype=jnp.int64 if jax.config.jax_enable_x64 else jnp.int32)
    tail = jax.random.randint(k3, (BATCH,), 0, ENT_SIZE, dtype=jnp.int64 if jax.config.jax_enable_x64 else jnp.int32)
    ent_emb = jax.random.normal(k4, (ENT_SIZE, EMB_DIM), dtype=jnp.float32)
    rel_emb = jax.random.normal(k5, (REL_SIZE, EMB_DIM), dtype=jnp.float32)
    rel_hyper = jax.random.normal(k6, (REL_SIZE, EMB_DIM), dtype=jnp.float32)
    return {"head": head, "relation": relation, "tail": tail,
            "ent_emb": ent_emb, "rel_emb": rel_emb, "rel_hyper": rel_hyper}

def reference(head, relation, tail, ent_emb, rel_emb, rel_hyper):
    head_emb = jnp.take(ent_emb, head, axis=0)
    rh = jnp.take(rel_hyper, relation, axis=0)
    r = jnp.take(rel_emb, relation, axis=0)
    tail_emb = jnp.take(ent_emb, tail, axis=0)
    head_emb = head_emb - rh * jnp.sum(head_emb * rh, axis=1, keepdims=True)
    tail_emb = tail_emb - rh * jnp.sum(tail_emb * rh, axis=1, keepdims=True)
    return head_emb + r - tail_emb

if __name__ == "__main__":
    import jax
    _d = setup_inputs()
    print(jax.jit(kernel)(*tuple(_d.values())))

</pallas_src>

<mosaic_0001>
#map = affine_map<(d0, d1) -> (0)>
#map1 = affine_map<(d0, d1) -> (0, 0)>
module attributes {stable_mosaic.version = 14 : i64} {
  func.func @_tec_body(%arg0: i32, %arg1: i32, %arg2: memref<16384xi32, #tpu.memory_space<hbm>>, %arg3: memref<16384xi32, #tpu.memory_space<hbm>>, %arg4: memref<16384xi32, #tpu.memory_space<hbm>>, %arg5: memref<1000000x64xf32, #tpu.memory_space<hbm>>, %arg6: memref<1000x64xf32, #tpu.memory_space<hbm>>, %arg7: memref<1000x64xf32, #tpu.memory_space<hbm>>, %arg8: memref<16384x64xf32, #tpu.memory_space<hbm>>, %arg9: memref<2x128xi32, #tpu.memory_space<vmem>>, %arg10: memref<2x128xi32, #tpu.memory_space<vmem>>, %arg11: memref<2x128xi32, #tpu.memory_space<vmem>>, %arg12: memref<256x64xf32, #tpu.memory_space<vmem>>, %arg13: memref<256x64xf32, #tpu.memory_space<vmem>>, %arg14: memref<256x64xf32, #tpu.memory_space<vmem>>, %arg15: memref<256x64xf32, #tpu.memory_space<vmem>>, %arg16: memref<!tpu.dma_semaphore, #tpu.memory_space<semaphore_mem>>) attributes {dimension_semantics = [#tpu.dimension_semantics<core_parallel>, #tpu.dimension_semantics<subcore_parallel>], iteration_bounds = array<i64: 2, 16>, scalar_prefetch = 0 : i64, scratch_operands = 8 : i64, tpu.core_type = #tpu.core_type<sc_vector_subcore>, window_params = [{transform_indices = #map}, {transform_indices = #map}, {transform_indices = #map}, {transform_indices = #map1}, {transform_indices = #map1}, {transform_indices = #map1}, {transform_indices = #map1}]} {
    %mul3A = arith.constant 2 : i32
    %mul3A_0 = arith.muli %arg1, %mul3A : i32
    %add3A = arith.addi %mul3A_0, %arg0 : i32
    %mul3A_1 = arith.constant 512 : i32
    %mul3A_2 = arith.muli %add3A, %mul3A_1 : i32
    %iota3A = tpu.iota {dimensions = array<i32: 0>} : vector<16xi32>
    %xor3A = arith.constant 1 : i32
    %xor3A_3 = vector.broadcast %xor3A : i32 to vector<16xi32>
    %xor3A_4 = arith.xori %iota3A, %xor3A_3 : vector<16xi32>
    %xor3A_5 = arith.constant 2 : i32
    %xor3A_6 = vector.broadcast %xor3A_5 : i32 to vector<16xi32>
    %xor3A_7 = arith.xori %iota3A, %xor3A_6 : vector<16xi32>
    %xor3A_8 = arith.constant 4 : i32
    %xor3A_9 = vector.broadcast %xor3A_8 : i32 to vector<16xi32>
    %xor3A_10 = arith.xori %iota3A, %xor3A_9 : vector<16xi32>
    %xor3A_11 = arith.constant 8 : i32
    %xor3A_12 = vector.broadcast %xor3A_11 : i32 to vector<16xi32>
    %xor3A_13 = arith.xori %iota3A, %xor3A_12 : vector<16xi32>
    %add3A_14 = arith.constant 0 : i32
    %add3A_15 = arith.addi %mul3A_2, %add3A_14 : i32
    %add3A_16 = arith.constant 0 : i32
    %add3A_17 = arith.addi %add3A_15, %add3A_16 : i32
    %run_scoped3A = arith.constant 0 : i32
    "tpu.region"() ({
      %run_scoped3A_368 = tpu.sem_alloc : memref<!tpu.dma_semaphore, #tpu.memory_space<semaphore_mem>>
      %dma_start3A_369 = arith.constant 0 : i32
      %dma_start3A_370 = tpu.memref_slice %arg9[%run_scoped3A, %dma_start3A_369] : memref<2x128xi32, #tpu.memory_space<vmem>> -> memref<1x128xi32, #tpu.memory_space<vmem>>
      %dma_start3A_371 = tpu.memref_squeeze %dma_start3A_370 : memref<1x128xi32, #tpu.memory_space<vmem>> -> memref<128xi32, #tpu.memory_space<vmem>>
      %dma_start3A_372 = tpu.memref_slice %arg2[%add3A_17] : memref<16384xi32, #tpu.memory_space<hbm>> -> memref<128xi32, #tpu.memory_space<hbm>>
      %dma_start3A_373 = arith.constant 0 : i32
      %dma_start3A_374 = tpu.memref_slice %arg9[%run_scoped3A, %dma_start3A_373] : memref<2x128xi32, #tpu.memory_space<vmem>> -> memref<1x128xi32, #tpu.memory_space<vmem>>
      %dma_start3A_375 = tpu.memref_squeeze %dma_start3A_374 : memref<1x128xi32, #tpu.memory_space<vmem>> -> memref<128xi32, #tpu.memory_space<vmem>>
      %dma_start3A_376 = tpu.memref_slice %arg2[%add3A_17] : memref<16384xi32, #tpu.memory_space<hbm>> -> memref<128xi32, #tpu.memory_space<hbm>>
      tpu.enqueue_dma source(%dma_start3A_376 : memref<128xi32, #tpu.memory_space<hbm>>) target(%dma_start3A_375 : memref<128xi32, #tpu.memory_space<vmem>>) target_semaphore(%run_scoped3A_368 : memref<!tpu.dma_semaphore, #tpu.memory_space<semaphore_mem>>)
      %dma_wait3A_377 = arith.constant 0 : i32
      %dma_wait3A_378 = tpu.memref_slice %arg9[%run_scoped3A, %dma_wait3A_377] : memref<2x128xi32, #tpu.memory_space<vmem>> -> memref<1x128xi32, #tpu.memory_space<vmem>>
      %dma_wait3A_379 = tpu.memref_squeeze %dma_wait3A_378 : memref<1x128xi32, #tpu.memory_space<vmem>> -> memref<128xi32, #tpu.memory_space<vmem>>
      %dma_wait3A_380 = tpu.memref_slice %arg2[%add3A_17] : memref<16384xi32, #tpu.memory_space<hbm>> -> memref<128xi32, #tpu.memory_space<hbm>>
      %dma_wait3A_381 = arith.constant 0 : i32
      %dma_wait3A_382 = tpu.memref_slice %arg9[%run_scoped3A, %dma_wait3A_381] : memref<2x128xi32, #tpu.memory_space<vmem>> -> memref<1x128xi32, #tpu.memory_space<vmem>>
      %dma_wait3A_383 = tpu.memref_squeeze %dma_wait3A_382 : memref<1x128xi32, #tpu.memory_space<vmem>> -> memref<128xi32, #tpu.memory_space<vmem>>
      %dma_wait3A_384 = tpu.memref_slice %arg2[%add3A_17] : memref<16384xi32, #tpu.memory_space<hbm>> -> memref<128xi32, #tpu.memory_space<hbm>>
      tpu.wait_dma2 semaphore(%run_scoped3A_368 : memref<!tpu.dma_semaphore, #tpu.memory_space<semaphore_mem>>) src(%dma_wait3A_384 : memref<128xi32, #tpu.memory_space<hbm>>) dst(%dma_wait3A_383 : memref<128xi32, #tpu.memory_space<vmem>>)
      tpu.yield
    }) : () -> ()
    %run_scoped3A_18 = arith.constant 0 : i32
    "tpu.region"() ({
      %run_scoped3A_368 = tpu.sem_alloc : memref<!tpu.dma_semaphore, #tpu.memory_space<semaphore_mem>>
      %dma_start3A_369 = arith.constant 0 : i32
      %dma_start3A_370 = tpu.memref_slice %arg10[%run_scoped3A_18, %dma_start3A_369] : memref<2x128xi32, #tpu.memory_space<vmem>> -> memref<1x128xi32, #tpu.memory_space<vmem>>
      %dma_start3A_371 = tpu.memref_squeeze %dma_start3A_370 : memref<1x128xi32, #tpu.memory_space<vmem>> -> memref<128xi32, #tpu.memory_space<vmem>>
      %dma_start3A_372 = tpu.memref_slice %arg4[%add3A_17] : memref<16384xi32, #tpu.memory_space<hbm>> -> memref<128xi32, #tpu.memory_space<hbm>>
      %dma_start3A_373 = arith.constant 0 : i32
      %dma_start3A_374 = tpu.memref_slice %arg10[%run_scoped3A_18, %dma_start3A_373] : memref<2x128xi32, #tpu.memory_space<vmem>> -> memref<1x128xi32, #tpu.memory_space<vmem>>
      %dma_start3A_375 = tpu.memref_squeeze %dma_start3A_374 : memref<1x128xi32, #tpu.memory_space<vmem>> -> memref<128xi32, #tpu.memory_space<vmem>>
      %dma_start3A_376 = tpu.memref_slice %arg4[%add3A_17] : memref<16384xi32, #tpu.memory_space<hbm>> -> memref<128xi32, #tpu.memory_space<hbm>>
      tpu.enqueue_dma source(%dma_start3A_376 : memref<128xi32, #tpu.memory_space<hbm>>) target(%dma_start3A_375 : memref<128xi32, #tpu.memory_space<vmem>>) target_semaphore(%run_scoped3A_368 : memref<!tpu.dma_semaphore, #tpu.memory_space<semaphore_mem>>)
      %dma_wait3A_377 = arith.constant 0 : i32
      %dma_wait3A_378 = tpu.memref_slice %arg10[%run_scoped3A_18, %dma_wait3A_377] : memref<2x128xi32, #tpu.memory_space<vmem>> -> memref<1x128xi32, #tpu.memory_space<vmem>>
      %dma_wait3A_379 = tpu.memref_squeeze %dma_wait3A_378 : memref<1x128xi32, #tpu.memory_space<vmem>> -> memref<128xi32, #tpu.memory_space<vmem>>
      %dma_wait3A_380 = tpu.memref_slice %arg4[%add3A_17] : memref<16384xi32, #tpu.memory_space<hbm>> -> memref<128xi32, #tpu.memory_space<hbm>>
      %dma_wait3A_381 = arith.constant 0 : i32
      %dma_wait3A_382 = tpu.memref_slice %arg10[%run_scoped3A_18, %dma_wait3A_381] : memref<2x128xi32, #tpu.memory_space<vmem>> -> memref<1x128xi32, #tpu.memory_space<vmem>>
      %dma_wait3A_383 = tpu.memref_squeeze %dma_wait3A_382 : memref<1x128xi32, #tpu.memory_space<vmem>> -> memref<128xi32, #tpu.memory_space<vmem>>
      %dma_wait3A_384 = tpu.memref_slice %arg4[%add3A_17] : memref<16384xi32, #tpu.memory_space<hbm>> -> memref<128xi32, #tpu.memory_space<hbm>>
      tpu.wait_dma2 semaphore(%run_scoped3A_368 : memref<!tpu.dma_semaphore, #tpu.memory_space<semaphore_mem>>) src(%dma_wait3A_384 : memref<128xi32, #tpu.memory_space<hbm>>) dst(%dma_wait3A_383 : memref<128xi32, #tpu.memory_space<vmem>>)
      tpu.yield
    }) : () -> ()
    %run_scoped3A_19 = arith.constant 0 : i32
    "tpu.region"() ({
      %run_scoped3A_368 = tpu.sem_alloc : memref<!tpu.dma_semaphore, #tpu.memory_space<semaphore_mem>>
      %dma_start3A_369 = arith.constant 0 : i32
      %dma_start3A_370 = tpu.memref_slice %arg11[%run_scoped3A_19, %dma_start3A_369] : memref<2x128xi32, #tpu.memory_space<vmem>> -> memref<1x128xi32, #tpu.memory_space<vmem>>
      %dma_start3A_371 = tpu.memref_squeeze %dma_start3A_370 : memref<1x128xi32, #tpu.memory_space<vmem>> -> memref<128xi32, #tpu.memory_space<vmem>>
      %dma_start3A_372 = tpu.memref_slice %arg3[%add3A_17] : memref<16384xi32, #tpu.memory_space<hbm>> -> memref<128xi32, #tpu.memory_space<hbm>>
      %dma_start3A_373 = arith.constant 0 : i32
      %dma_start3A_374 = tpu.memref_slice %arg11[%run_scoped3A_19, %dma_start3A_373] : memref<2x128xi32, #tpu.memory_space<vmem>> -> memref<1x128xi32, #tpu.memory_space<vmem>>
      %dma_start3A_375 = tpu.memref_squeeze %dma_start3A_374 : memref<1x128xi32, #tpu.memory_space<vmem>> -> memref<128xi32, #tpu.memory_space<vmem>>
      %dma_start3A_376 = tpu.memref_slice %arg3[%add3A_17] : memref<16384xi32, #tpu.memory_space<hbm>> -> memref<128xi32, #tpu.memory_space<hbm>>
      tpu.enqueue_dma source(%dma_start3A_376 : memref<128xi32, #tpu.memory_space<hbm>>) target(%dma_start3A_375 : memref<128xi32, #tpu.memory_space<vmem>>) target_semaphore(%run_scoped3A_368 : memref<!tpu.dma_semaphore, #tpu.memory_space<semaphore_mem>>)
      %dma_wait3A_377 = arith.constant 0 : i32
      %dma_wait3A_378 = tpu.memref_slice %arg11[%run_scoped3A_19, %dma_wait3A_377] : memref<2x128xi32, #tpu.memory_space<vmem>> -> memref<1x128xi32, #tpu.memory_space<vmem>>
      %dma_wait3A_379 = tpu.memref_squeeze %dma_wait3A_378 : memref<1x128xi32, #tpu.memory_space<vmem>> -> memref<128xi32, #tpu.memory_space<vmem>>
      %dma_wait3A_380 = tpu.memref_slice %arg3[%add3A_17] : memref<16384xi32, #tpu.memory_space<hbm>> -> memref<128xi32, #tpu.memory_space<hbm>>
      %dma_wait3A_381 = arith.constant 0 : i32
      %dma_wait3A_382 = tpu.memref_slice %arg11[%run_scoped3A_19, %dma_wait3A_381] : memref<2x128xi32, #tpu.memory_space<vmem>> -> memref<1x128xi32, #tpu.memory_space<vmem>>
      %dma_wait3A_383 = tpu.memref_squeeze %dma_wait3A_382 : memref<1x128xi32, #tpu.memory_space<vmem>> -> memref<128xi32, #tpu.memory_space<vmem>>
      %dma_wait3A_384 = tpu.memref_slice %arg3[%add3A_17] : memref<16384xi32, #tpu.memory_space<hbm>> -> memref<128xi32, #tpu.memory_space<hbm>>
      tpu.wait_dma2 semaphore(%run_scoped3A_368 : memref<!tpu.dma_semaphore, #tpu.memory_space<semaphore_mem>>) src(%dma_wait3A_384 : memref<128xi32, #tpu.memory_space<hbm>>) dst(%dma_wait3A_383 : memref<128xi32, #tpu.memory_space<vmem>>)
      tpu.yield
    }) : () -> ()
    %add3A_20 = arith.constant 128 : i32
    %add3A_21 = arith.addi %add3A_15, %add3A_20 : i32
    %run_scoped3A_22 = arith.constant 1 : i32
    "tpu.region"() ({
      %run_scoped3A_368 = tpu.sem_alloc : memref<!tpu.dma_semaphore, #tpu.memory_space<semaphore_mem>>
      %dma_start3A_369 = arith.constant 0 : i32
      %dma_start3A_370 = tpu.memref_slice %arg9[%run_scoped3A_22, %dma_start3A_369] : memref<2x128xi32, #tpu.memory_space<vmem>> -> memref<1x128xi32, #tpu.memory_space<vmem>>
      %dma_start3A_371 = tpu.memref_squeeze %dma_start3A_370 : memref<1x128xi32, #tpu.memory_space<vmem>> -> memref<128xi32, #tpu.memory_space<vmem>>
      %dma_start3A_372 = tpu.memref_slice %arg2[%add3A_21] : memref<16384xi32, #tpu.memory_space<hbm>> -> memref<128xi32, #tpu.memory_space<hbm>>
      %dma_start3A_373 = arith.constant 0 : i32
      %dma_start3A_374 = tpu.memref_slice %arg9[%run_scoped3A_22, %dma_start3A_373] : memref<2x128xi32, #tpu.memory_space<vmem>> -> memref<1x128xi32, #tpu.memory_space<vmem>>
      %dma_start3A_375 = tpu.memref_squeeze %dma_start3A_374 : memref<1x128xi32, #tpu.memory_space<vmem>> -> memref<128xi32, #tpu.memory_space<vmem>>
      %dma_start3A_376 = tpu.memref_slice %arg2[%add3A_21] : memref<16384xi32, #tpu.memory_space<hbm>> -> memref<128xi32, #tpu.memory_space<hbm>>
      tpu.enqueue_dma source(%dma_start3A_376 : memref<128xi32, #tpu.memory_space<hbm>>) target(%dma_start3A_375 : memref<128xi32, #tpu.memory_space<vmem>>) target_semaphore(%run_scoped3A_368 : memref<!tpu.dma_semaphore, #tpu.memory_space<semaphore_mem>>)
      %dma_wait3A_377 = arith.constant 0 : i32
      %dma_wait3A_378 = tpu.memref_slice %arg9[%run_scoped3A_22, %dma_wait3A_377] : memref<2x128xi32, #tpu.memory_space<vmem>> -> memref<1x128xi32, #tpu.memory_space<vmem>>
      %dma_wait3A_379 = tpu.memref_squeeze %dma_wait3A_378 : memref<1x128xi32, #tpu.memory_space<vmem>> -> memref<128xi32, #tpu.memory_space<vmem>>
      %dma_wait3A_380 = tpu.memref_slice %arg2[%add3A_21] : memref<16384xi32, #tpu.memory_space<hbm>> -> memref<128xi32, #tpu.memory_space<hbm>>
      %dma_wait3A_381 = arith.constant 0 : i32
      %dma_wait3A_382 = tpu.memref_slice %arg9[%run_scoped3A_22, %dma_wait3A_381] : memref<2x128xi32, #tpu.memory_space<vmem>> -> memref<1x128xi32, #tpu.memory_space<vmem>>
      %dma_wait3A_383 = tpu.memref_squeeze %dma_wait3A_382 : memref<1x128xi32, #tpu.memory_space<vmem>> -> memref<128xi32, #tpu.memory_space<vmem>>
      %dma_wait3A_384 = tpu.memref_slice %arg2[%add3A_21] : memref<16384xi32, #tpu.memory_space<hbm>> -> memref<128xi32, #tpu.memory_space<hbm>>
      tpu.wait_dma2 semaphore(%run_scoped3A_368 : memref<!tpu.dma_semaphore, #tpu.memory_space<semaphore_mem>>) src(%dma_wait3A_384 : memref<128xi32, #tpu.memory_space<hbm>>) dst(%dma_wait3A_383 : memref<128xi32, #tpu.memory_space<vmem>>)
      tpu.yield
    }) : () -> ()
    %run_scoped3A_23 = arith.constant 1 : i32
    "tpu.region"() ({
      %run_scoped3A_368 = tpu.sem_alloc : memref<!tpu.dma_semaphore, #tpu.memory_space<semaphore_mem>>
      %dma_start3A_369 = arith.constant 0 : i32
      %dma_start3A_370 = tpu.memref_slice %arg10[%run_scoped3A_23, %dma_start3A_369] : memref<2x128xi32, #tpu.memory_space<vmem>> -> memref<1x128xi32, #tpu.memory_space<vmem>>
      %dma_start3A_371 = tpu.memref_squeeze %dma_start3A_370 : memref<1x128xi32, #tpu.memory_space<vmem>> -> memref<128xi32, #tpu.memory_space<vmem>>
      %dma_start3A_372 = tpu.memref_slice %arg4[%add3A_21] : memref<16384xi32, #tpu.memory_space<hbm>> -> memref<128xi32, #tpu.memory_space<hbm>>
      %dma_start3A_373 = arith.constant 0 : i32
      %dma_start3A_374 = tpu.memref_slice %arg10[%run_scoped3A_23, %dma_start3A_373] : memref<2x128xi32, #tpu.memory_space<vmem>> -> memref<1x128xi32, #tpu.memory_space<vmem>>
      %dma_start3A_375 = tpu.memref_squeeze %dma_start3A_374 : memref<1x128xi32, #tpu.memory_space<vmem>> -> memref<128xi32, #tpu.memory_space<vmem>>
      %dma_start3A_376 = tpu.memref_slice %arg4[%add3A_21] : memref<16384xi32, #tpu.memory_space<hbm>> -> memref<128xi32, #tpu.memory_space<hbm>>
      tpu.enqueue_dma source(%dma_start3A_376 : memref<128xi32, #tpu.memory_space<hbm>>) target(%dma_start3A_375 : memref<128xi32, #tpu.memory_space<vmem>>) target_semaphore(%run_scoped3A_368 : memref<!tpu.dma_semaphore, #tpu.memory_space<semaphore_mem>>)
      %dma_wait3A_377 = arith.constant 0 : i32
      %dma_wait3A_378 = tpu.memref_slice %arg10[%run_scoped3A_23, %dma_wait3A_377] : memref<2x128xi32, #tpu.memory_space<vmem>> -> memref<1x128xi32, #tpu.memory_space<vmem>>
      %dma_wait3A_379 = tpu.memref_squeeze %dma_wait3A_378 : memref<1x128xi32, #tpu.memory_space<vmem>> -> memref<128xi32, #tpu.memory_space<vmem>>
      %dma_wait3A_380 = tpu.memref_slice %arg4[%add3A_21] : memref<16384xi32, #tpu.memory_space<hbm>> -> memref<128xi32, #tpu.memory_space<hbm>>
      %dma_wait3A_381 = arith.constant 0 : i32
      %dma_wait3A_382 = tpu.memref_slice %arg10[%run_scoped3A_23, %dma_wait3A_381] : memref<2x128xi32, #tpu.memory_space<vmem>> -> memref<1x128xi32, #tpu.memory_space<vmem>>
      %dma_wait3A_383 = tpu.memref_squeeze %dma_wait3A_382 : memref<1x128xi32, #tpu.memory_space<vmem>> -> memref<128xi32, #tpu.memory_space<vmem>>
      %dma_wait3A_384 = tpu.memref_slice %arg4[%add3A_21] : memref<16384xi32, #tpu.memory_space<hbm>> -> memref<128xi32, #tpu.memory_space<hbm>>
      tpu.wait_dma2 semaphore(%run_scoped3A_368 : memref<!tpu.dma_semaphore, #tpu.memory_space<semaphore_mem>>) src(%dma_wait3A_384 : memref<128xi32, #tpu.memory_space<hbm>>) dst(%dma_wait3A_383 : memref<128xi32, #tpu.memory_space<vmem>>)
      tpu.yield
    }) : () -> ()
    %run_scoped3A_24 = arith.constant 1 : i32
    "tpu.region"() ({
      %run_scoped3A_368 = tpu.sem_alloc : memref<!tpu.dma_semaphore, #tpu.memory_space<semaphore_mem>>
      %dma_start3A_369 = arith.constant 0 : i32
      %dma_start3A_370 = tpu.memref_slice %arg11[%run_scoped3A_24, %dma_start3A_369] : memref<2x128xi32, #tpu.memory_space<vmem>> -> memref<1x128xi32, #tpu.memory_space<vmem>>
      %dma_start3A_371 = tpu.memref_squeeze %dma_start3A_370 : memref<1x128xi32, #tpu.memory_space<vmem>> -> memref<128xi32, #tpu.memory_space<vmem>>
      %dma_start3A_372 = tpu.memref_slice %arg3[%add3A_21] : memref<16384xi32, #tpu.memory_space<hbm>> -> memref<128xi32, #tpu.memory_space<hbm>>
      %dma_start3A_373 = arith.constant 0 : i32
      %dma_start3A_374 = tpu.memref_slice %arg11[%run_scoped3A_24, %dma_start3A_373] : memref<2x128xi32, #tpu.memory_space<vmem>> -> memref<1x128xi32, #tpu.memory_space<vmem>>
      %dma_start3A_375 = tpu.memref_squeeze %dma_start3A_374 : memref<1x128xi32, #tpu.memory_space<vmem>> -> memref<128xi32, #tpu.memory_space<vmem>>
      %dma_start3A_376 = tpu.memref_slice %arg3[%add3A_21] : memref<16384xi32, #tpu.memory_space<hbm>> -> memref<128xi32, #tpu.memory_space<hbm>>
      tpu.enqueue_dma source(%dma_start3A_376 : memref<128xi32, #tpu.memory_space<hbm>>) target(%dma_start3A_375 : memref<128xi32, #tpu.memory_space<vmem>>) target_semaphore(%run_scoped3A_368 : memref<!tpu.dma_semaphore, #tpu.memory_space<semaphore_mem>>)
      %dma_wait3A_377 = arith.constant 0 : i32
      %dma_wait3A_378 = tpu.memref_slice %arg11[%run_scoped3A_24, %dma_wait3A_377] : memref<2x128xi32, #tpu.memory_space<vmem>> -> memref<1x128xi32, #tpu.memory_space<vmem>>
      %dma_wait3A_379 = tpu.memref_squeeze %dma_wait3A_378 : memref<1x128xi32, #tpu.memory_space<vmem>> -> memref<128xi32, #tpu.memory_space<vmem>>
      %dma_wait3A_380 = tpu.memref_slice %arg3[%add3A_21] : memref<16384xi32, #tpu.memory_space<hbm>> -> memref<128xi32, #tpu.memory_space<hbm>>
      %dma_wait3A_381 = arith.constant 0 : i32
      %dma_wait3A_382 = tpu.memref_slice %arg11[%run_scoped3A_24, %dma_wait3A_381] : memref<2x128xi32, #tpu.memory_space<vmem>> -> memref<1x128xi32, #tpu.memory_space<vmem>>
      %dma_wait3A_383 = tpu.memref_squeeze %dma_wait3A_382 : memref<1x128xi32, #tpu.memory_space<vmem>> -> memref<128xi32, #tpu.memory_space<vmem>>
      %dma_wait3A_384 = tpu.memref_slice %arg3[%add3A_21] : memref<16384xi32, #tpu.memory_space<hbm>> -> memref<128xi32, #tpu.memory_space<hbm>>
      tpu.wait_dma2 semaphore(%run_scoped3A_368 : memref<!tpu.dma_semaphore, #tpu.memory_space<semaphore_mem>>) src(%dma_wait3A_384 : memref<128xi32, #tpu.memory_space<hbm>>) dst(%dma_wait3A_383 : memref<128xi32, #tpu.memory_space<vmem>>)
      tpu.yield
    }) : () -> ()
    %dma_start3A = arith.constant 0 : i32
    %dma_start3A_25 = arith.constant 0 : i32
    %dma_start3A_26 = arith.constant 0 : i32
    %dma_start3A_27 = tpu.memref_slice %arg12[%dma_start3A_25, %dma_start3A_26] : memref<256x64xf32, #tpu.memory_space<vmem>> -> memref<128x64xf32, #tpu.memory_space<vmem>>
    %dma_start3A_28 = arith.constant 0 : i32
    %dma_start3A_29 = tpu.memref_slice %arg9[%dma_start3A, %dma_start3A_28] : memref<2x128xi32, #tpu.memory_space<vmem>> -> memref<1x128xi32, #tpu.memory_space<vmem>>
    %dma_start3A_30 = tpu.memref_squeeze %dma_start3A_29 : memref<1x128xi32, #tpu.memory_space<vmem>> -> memref<128xi32, #tpu.memory_space<vmem>>
    %dma_start3A_31 = arith.constant 0 : i32
    %dma_start3A_32 = arith.constant 0 : i32
    %dma_start3A_33 = tpu.memref_slice %arg5[%dma_start3A_31, %dma_start3A_32] : memref<1000000x64xf32, #tpu.memory_space<hbm>> -> memref<1000000x64xf32, #tpu.memory_space<hbm>>
    tpu.enqueue_indirect_dma source(%dma_start3A_33 : memref<1000000x64xf32, #tpu.memory_space<hbm>>) target(%dma_start3A_27 : memref<128x64xf32, #tpu.memory_space<vmem>>) offsets(%dma_start3A_30 : memref<128xi32, #tpu.memory_space<vmem>>) semaphore(%arg16 : memref<!tpu.dma_semaphore, #tpu.memory_space<semaphore_mem>>)
    %dma_start3A_34 = arith.constant 0 : i32
    %dma_start3A_35 = arith.constant 0 : i32
    %dma_start3A_36 = arith.constant 0 : i32
    %dma_start3A_37 = tpu.memref_slice %arg13[%dma_start3A_35, %dma_start3A_36] : memref<256x64xf32, #tpu.memory_space<vmem>> -> memref<128x64xf32, #tpu.memory_space<vmem>>
    %dma_start3A_38 = arith.constant 0 : i32
    %dma_start3A_39 = tpu.memref_slice %arg10[%dma_start3A_34, %dma_start3A_38] : memref<2x128xi32, #tpu.memory_space<vmem>> -> memref<1x128xi32, #tpu.memory_space<vmem>>
    %dma_start3A_40 = tpu.memref_squeeze %dma_start3A_39 : memref<1x128xi32, #tpu.memory_space<vmem>> -> memref<128xi32, #tpu.memory_space<vmem>>
    %dma_start3A_41 = arith.constant 0 : i32
    %dma_start3A_42 = arith.constant 0 : i32
    %dma_start3A_43 = tpu.memref_slice %arg5[%dma_start3A_41, %dma_start3A_42] : memref<1000000x64xf32, #tpu.memory_space<hbm>> -> memref<1000000x64xf32, #tpu.memory_space<hbm>>
    tpu.enqueue_indirect_dma source(%dma_start3A_43 : memref<1000000x64xf32, #tpu.memory_space<hbm>>) target(%dma_start3A_37 : memref<128x64xf32, #tpu.memory_space<vmem>>) offsets(%dma_start3A_40 : memref<128xi32, #tpu.memory_space<vmem>>) semaphore(%arg16 : memref<!tpu.dma_semaphore, #tpu.memory_space<semaphore_mem>>)
    %dma_start3A_44 = arith.constant 0 : i32
    %dma_start3A_45 = arith.constant 0 : i32
    %dma_start3A_46 = arith.constant 0 : i32
    %dma_start3A_47 = tpu.memref_slice %arg14[%dma_start3A_45, %dma_start3A_46] : memref<256x64xf32, #tpu.memory_space<vmem>> -> memref<128x64xf32, #tpu.memory_space<vmem>>
    %dma_start3A_48 = arith.constant 0 : i32
    %dma_start3A_49 = tpu.memref_slice %arg11[%dma_start3A_44, %dma_start3A_48] : memref<2x128xi32, #tpu.memory_space<vmem>> -> memref<1x128xi32, #tpu.memory_space<vmem>>
    %dma_start3A_50 = tpu.memref_squeeze %dma_start3A_49 : memref<1x128xi32, #tpu.memory_space<vmem>> -> memref<128xi32, #tpu.memory_space<vmem>>
    %dma_start3A_51 = arith.constant 0 : i32
    %dma_start3A_52 = arith.constant 0 : i32
    %dma_start3A_53 = tpu.memref_slice %arg6[%dma_start3A_51, %dma_start3A_52] : memref<1000x64xf32, #tpu.memory_space<hbm>> -> memref<1000x64xf32, #tpu.memory_space<hbm>>
    tpu.enqueue_indirect_dma source(%dma_start3A_53 : memref<1000x64xf32, #tpu.memory_space<hbm>>) target(%dma_start3A_47 : memref<128x64xf32, #tpu.memory_space<vmem>>) offsets(%dma_start3A_50 : memref<128xi32, #tpu.memory_space<vmem>>) semaphore(%arg16 : memref<!tpu.dma_semaphore, #tpu.memory_space<semaphore_mem>>)
    %dma_start3A_54 = arith.constant 0 : i32
    %dma_start3A_55 = arith.constant 0 : i32
    %dma_start3A_56 = arith.constant 0 : i32
    %dma_start3A_57 = tpu.memref_slice %arg15[%dma_start3A_55, %dma_start3A_56] : memref<256x64xf32, #tpu.memory_space<vmem>> -> memref<128x64xf32, #tpu.memory_space<vmem>>
    %dma_start3A_58 = arith.constant 0 : i32
    %dma_start3A_59 = tpu.memref_slice %arg11[%dma_start3A_54, %dma_start3A_58] : memref<2x128xi32, #tpu.memory_space<vmem>> -> memref<1x128xi32, #tpu.memory_space<vmem>>
    %dma_start3A_60 = tpu.memref_squeeze %dma_start3A_59 : memref<1x128xi32, #tpu.memory_space<vmem>> -> memref<128xi32, #tpu.memory_space<vmem>>
    %dma_start3A_61 = arith.constant 0 : i32
    %dma_start3A_62 = arith.constant 0 : i32
    %dma_start3A_63 = tpu.memref_slice %arg7[%dma_start3A_61, %dma_start3A_62] : memref<1000x64xf32, #tpu.memory_space<hbm>> -> memref<1000x64xf32, #tpu.memory_space<hbm>>
    tpu.enqueue_indirect_dma source(%dma_start3A_63 : memref<1000x64xf32, #tpu.memory_space<hbm>>) target(%dma_start3A_57 : memref<128x64xf32, #tpu.memory_space<vmem>>) offsets(%dma_start3A_60 : memref<128xi32, #tpu.memory_space<vmem>>) semaphore(%arg16 : memref<!tpu.dma_semaphore, #tpu.memory_space<semaphore_mem>>)
    %dma_start3A_64 = arith.constant 1 : i32
    %dma_start3A_65 = arith.constant 128 : i32
    %dma_start3A_66 = arith.constant 0 : i32
    %dma_start3A_67 = tpu.memref_slice %arg12[%dma_start3A_65, %dma_start3A_66] : memref<256x64xf32, #tpu.memory_space<vmem>> -> memref<128x64xf32, #tpu.memory_space<vmem>>
    %dma_start3A_68 = arith.constant 0 : i32
    %dma_start3A_69 = tpu.memref_slice %arg9[%dma_start3A_64, %dma_start3A_68] : memref<2x128xi32, #tpu.memory_space<vmem>> -> memref<1x128xi32, #tpu.memory_space<vmem>>
    %dma_start3A_70 = tpu.memref_squeeze %dma_start3A_69 : memref<1x128xi32, #tpu.memory_space<vmem>> -> memref<128xi32, #tpu.memory_space<vmem>>
    %dma_start3A_71 = arith.constant 0 : i32
    %dma_start3A_72 = arith.constant 0 : i32
    %dma_start3A_73 = tpu.memref_slice %arg5[%dma_start3A_71, %dma_start3A_72] : memref<1000000x64xf32, #tpu.memory_space<hbm>> -> memref<1000000x64xf32, #tpu.memory_space<hbm>>
    tpu.enqueue_indirect_dma source(%dma_start3A_73 : memref<1000000x64xf32, #tpu.memory_space<hbm>>) target(%dma_start3A_67 : memref<128x64xf32, #tpu.memory_space<vmem>>) offsets(%dma_start3A_70 : memref<128xi32, #tpu.memory_space<vmem>>) semaphore(%arg16 : memref<!tpu.dma_semaphore, #tpu.memory_space<semaphore_mem>>)
    %dma_start3A_74 = arith.constant 1 : i32
    %dma_start3A_75 = arith.constant 128 : i32
    %dma_start3A_76 = arith.constant 0 : i32
    %dma_start3A_77 = tpu.memref_slice %arg13[%dma_start3A_75, %dma_start3A_76] : memref<256x64xf32, #tpu.memory_space<vmem>> -> memref<128x64xf32, #tpu.memory_space<vmem>>
    %dma_start3A_78 = arith.constant 0 : i32
    %dma_start3A_79 = tpu.memref_slice %arg10[%dma_start3A_74, %dma_start3A_78] : memref<2x128xi32, #tpu.memory_space<vmem>> -> memref<1x128xi32, #tpu.memory_space<vmem>>
    %dma_start3A_80 = tpu.memref_squeeze %dma_start3A_79 : memref<1x128xi32, #tpu.memory_space<vmem>> -> memref<128xi32, #tpu.memory_space<vmem>>
    %dma_start3A_81 = arith.constant 0 : i32
    %dma_start3A_82 = arith.constant 0 : i32
    %dma_start3A_83 = tpu.memref_slice %arg5[%dma_start3A_81, %dma_start3A_82] : memref<1000000x64xf32, #tpu.memory_space<hbm>> -> memref<1000000x64xf32, #tpu.memory_space<hbm>>
    tpu.enqueue_indirect_dma source(%dma_start3A_83 : memref<1000000x64xf32, #tpu.memory_space<hbm>>) target(%dma_start3A_77 : memref<128x64xf32, #tpu.memory_space<vmem>>) offsets(%dma_start3A_80 : memref<128xi32, #tpu.memory_space<vmem>>) semaphore(%arg16 : memref<!tpu.dma_semaphore, #tpu.memory_space<semaphore_mem>>)
    %dma_start3A_84 = arith.constant 1 : i32
    %dma_start3A_85 = arith.constant 128 : i32
    %dma_start3A_86 = arith.constant 0 : i32
    %dma_start3A_87 = tpu.memref_slice %arg14[%dma_start3A_85, %dma_start3A_86] : memref<256x64xf32, #tpu.memory_space<vmem>> -> memref<128x64xf32, #tpu.memory_space<vmem>>
    %dma_start3A_88 = arith.constant 0 : i32
    %dma_start3A_89 = tpu.memref_slice %arg11[%dma_start3A_84, %dma_start3A_88] : memref<2x128xi32, #tpu.memory_space<vmem>> -> memref<1x128xi32, #tpu.memory_space<vmem>>
    %dma_start3A_90 = tpu.memref_squeeze %dma_start3A_89 : memref<1x128xi32, #tpu.memory_space<vmem>> -> memref<128xi32, #tpu.memory_space<vmem>>
    %dma_start3A_91 = arith.constant 0 : i32
    %dma_start3A_92 = arith.constant 0 : i32
    %dma_start3A_93 = tpu.memref_slice %arg6[%dma_start3A_91, %dma_start3A_92] : memref<1000x64xf32, #tpu.memory_space<hbm>> -> memref<1000x64xf32, #tpu.memory_space<hbm>>
    tpu.enqueue_indirect_dma source(%dma_start3A_93 : memref<1000x64xf32, #tpu.memory_space<hbm>>) target(%dma_start3A_87 : memref<128x64xf32, #tpu.memory_space<vmem>>) offsets(%dma_start3A_90 : memref<128xi32, #tpu.memory_space<vmem>>) semaphore(%arg16 : memref<!tpu.dma_semaphore, #tpu.memory_space<semaphore_mem>>)
    %dma_start3A_94 = arith.constant 1 : i32
    %dma_start3A_95 = arith.constant 128 : i32
    %dma_start3A_96 = arith.constant 0 : i32
    %dma_start3A_97 = tpu.memref_slice %arg15[%dma_start3A_95, %dma_start3A_96] : memref<256x64xf32, #tpu.memory_space<vmem>> -> memref<128x64xf32, #tpu.memory_space<vmem>>
    %dma_start3A_98 = arith.constant 0 : i32
    %dma_start3A_99 = tpu.memref_slice %arg11[%dma_start3A_94, %dma_start3A_98] : memref<2x128xi32, #tpu.memory_space<vmem>> -> memref<1x128xi32, #tpu.memory_space<vmem>>
    %dma_start3A_100 = tpu.memref_squeeze %dma_start3A_99 : memref<1x128xi32, #tpu.memory_space<vmem>> -> memref<128xi32, #tpu.memory_space<vmem>>
    %dma_start3A_101 = arith.constant 0 : i32
    %dma_start3A_102 = arith.constant 0 : i32
    %dma_start3A_103 = tpu.memref_slice %arg7[%dma_start3A_101, %dma_start3A_102] : memref<1000x64xf32, #tpu.memory_space<hbm>> -> memref<1000x64xf32, #tpu.memory_space<hbm>>
    tpu.enqueue_indirect_dma source(%dma_start3A_103 : memref<1000x64xf32, #tpu.memory_space<hbm>>) target(%dma_start3A_97 : memref<128x64xf32, #tpu.memory_space<vmem>>) offsets(%dma_start3A_100 : memref<128xi32, #tpu.memory_space<vmem>>) semaphore(%arg16 : memref<!tpu.dma_semaphore, #tpu.memory_space<semaphore_mem>>)
    %dma_wait3A = arith.constant 0 : i32
    %dma_wait3A_104 = arith.constant 0 : i32
    %dma_wait3A_105 = arith.constant 0 : i32
    %dma_wait3A_106 = tpu.memref_slice %arg12[%dma_wait3A_104, %dma_wait3A_105] : memref<256x64xf32, #tpu.memory_space<vmem>> -> memref<128x64xf32, #tpu.memory_space<vmem>>
    %dma_wait3A_107 = arith.constant 0 : i32
    %dma_wait3A_108 = tpu.memref_slice %arg9[%dma_wait3A, %dma_wait3A_107] : memref<2x128xi32, #tpu.memory_space<vmem>> -> memref<1x128xi32, #tpu.memory_space<vmem>>
    %dma_wait3A_109 = tpu.memref_squeeze %dma_wait3A_108 : memref<1x128xi32, #tpu.memory_space<vmem>> -> memref<128xi32, #tpu.memory_space<vmem>>
    %dma_wait3A_110 = arith.constant 0 : i32
    %dma_wait3A_111 = arith.constant 0 : i32
    %dma_wait3A_112 = tpu.memref_slice %arg5[%dma_wait3A_110, %dma_wait3A_111] : memref<1000000x64xf32, #tpu.memory_space<hbm>> -> memref<1000000x64xf32, #tpu.memory_space<hbm>>
    tpu.wait_indirect_dma semaphore(%arg16 : memref<!tpu.dma_semaphore, #tpu.memory_space<semaphore_mem>>) src(%dma_wait3A_112 : memref<1000000x64xf32, #tpu.memory_space<hbm>>) dst(%dma_wait3A_106 : memref<128x64xf32, #tpu.memory_space<vmem>>)
    %dma_wait3A_113 = arith.constant 0 : i32
    %dma_wait3A_114 = arith.constant 0 : i32
    %dma_wait3A_115 = arith.constant 0 : i32
    %dma_wait3A_116 = tpu.memref_slice %arg13[%dma_wait3A_114, %dma_wait3A_115] : memref<256x64xf32, #tpu.memory_space<vmem>> -> memref<128x64xf32, #tpu.memory_space<vmem>>
    %dma_wait3A_117 = arith.constant 0 : i32
    %dma_wait3A_118 = tpu.memref_slice %arg10[%dma_wait3A_113, %dma_wait3A_117] : memref<2x128xi32, #tpu.memory_space<vmem>> -> memref<1x128xi32, #tpu.memory_space<vmem>>
    %dma_wait3A_119 = tpu.memref_squeeze %dma_wait3A_118 : memref<1x128xi32, #tpu.memory_space<vmem>> -> memref<128xi32, #tpu.memory_space<vmem>>
    %dma_wait3A_120 = arith.constant 0 : i32
    %dma_wait3A_121 = arith.constant 0 : i32
    %dma_wait3A_122 = tpu.memref_slice %arg5[%dma_wait3A_120, %dma_wait3A_121] : memref<1000000x64xf32, #tpu.memory_space<hbm>> -> memref<1000000x64xf32, #tpu.memory_space<hbm>>
    tpu.wait_indirect_dma semaphore(%arg16 : memref<!tpu.dma_semaphore, #tpu.memory_space<semaphore_mem>>) src(%dma_wait3A_122 : memref<1000000x64xf32, #tpu.memory_space<hbm>>) dst(%dma_wait3A_116 : memref<128x64xf32, #tpu.memory_space<vmem>>)
    %dma_wait3A_123 = arith.constant 0 : i32
    %dma_wait3A_124 = arith.constant 0 : i32
    %dma_wait3A_125 = arith.constant 0 : i32
    %dma_wait3A_126 = tpu.memref_slice %arg14[%dma_wait3A_124, %dma_wait3A_125] : memref<256x64xf32, #tpu.memory_space<vmem>> -> memref<128x64xf32, #tpu.memory_space<vmem>>
    %dma_wait3A_127 = arith.constant 0 : i32
    %dma_wait3A_128 = tpu.memref_slice %arg11[%dma_wait3A_123, %dma_wait3A_127] : memref<2x128xi32, #tpu.memory_space<vmem>> -> memref<1x128xi32, #tpu.memory_space<vmem>>
    %dma_wait3A_129 = tpu.memref_squeeze %dma_wait3A_128 : memref<1x128xi32, #tpu.memory_space<vmem>> -> memref<128xi32, #tpu.memory_space<vmem>>
    %dma_wait3A_130 = arith.constant 0 : i32
    %dma_wait3A_131 = arith.constant 0 : i32
    %dma_wait3A_132 = tpu.memref_slice %arg6[%dma_wait3A_130, %dma_wait3A_131] : memref<1000x64xf32, #tpu.memory_space<hbm>> -> memref<1000x64xf32, #tpu.memory_space<hbm>>
    tpu.wait_indirect_dma semaphore(%arg16 : memref<!tpu.dma_semaphore, #tpu.memory_space<semaphore_mem>>) src(%dma_wait3A_132 : memref<1000x64xf32, #tpu.memory_space<hbm>>) dst(%dma_wait3A_126 : memref<128x64xf32, #tpu.memory_space<vmem>>)
    %dma_wait3A_133 = arith.constant 0 : i32
    %dma_wait3A_134 = arith.constant 0 : i32
    %dma_wait3A_135 = arith.constant 0 : i32
    %dma_wait3A_136 = tpu.memref_slice %arg15[%dma_wait3A_134, %dma_wait3A_135] : memref<256x64xf32, #tpu.memory_space<vmem>> -> memref<128x64xf32, #tpu.memory_space<vmem>>
    %dma_wait3A_137 = arith.constant 0 : i32
    %dma_wait3A_138 = tpu.memref_slice %arg11[%dma_wait3A_133, %dma_wait3A_137] : memref<2x128xi32, #tpu.memory_space<vmem>> -> memref<1x128xi32, #tpu.memory_space<vmem>>
    %dma_wait3A_139 = tpu.memref_squeeze %dma_wait3A_138 : memref<1x128xi32, #tpu.memory_space<vmem>> -> memref<128xi32, #tpu.memory_space<vmem>>
    %dma_wait3A_140 = arith.constant 0 : i32
    %dma_wait3A_141 = arith.constant 0 : i32
    %dma_wait3A_142 = tpu.memref_slice %arg7[%dma_wait3A_140, %dma_wait3A_141] : memref<1000x64xf32, #tpu.memory_space<hbm>> -> memref<1000x64xf32, #tpu.memory_space<hbm>>
    tpu.wait_indirect_dma semaphore(%arg16 : memref<!tpu.dma_semaphore, #tpu.memory_space<semaphore_mem>>) src(%dma_wait3A_142 : memref<1000x64xf32, #tpu.memory_space<hbm>>) dst(%dma_wait3A_136 : memref<128x64xf32, #tpu.memory_space<vmem>>)
    %dma_wait3A_143 = arith.constant 1 : i32
    %dma_wait3A_144 = arith.constant 128 : i32
    %dma_wait3A_145 = arith.constant 0 : i32
    %dma_wait3A_146 = tpu.memref_slice %arg12[%dma_wait3A_144, %dma_wait3A_145] : memref<256x64xf32, #tpu.memory_space<vmem>> -> memref<128x64xf32, #tpu.memory_space<vmem>>
    %dma_wait3A_147 = arith.constant 0 : i32
    %dma_wait3A_148 = tpu.memref_slice %arg9[%dma_wait3A_143, %dma_wait3A_147] : memref<2x128xi32, #tpu.memory_space<vmem>> -> memref<1x128xi32, #tpu.memory_space<vmem>>
    %dma_wait3A_149 = tpu.memref_squeeze %dma_wait3A_148 : memref<1x128xi32, #tpu.memory_space<vmem>> -> memref<128xi32, #tpu.memory_space<vmem>>
    %dma_wait3A_150 = arith.constant 0 : i32
    %dma_wait3A_151 = arith.constant 0 : i32
    %dma_wait3A_152 = tpu.memref_slice %arg5[%dma_wait3A_150, %dma_wait3A_151] : memref<1000000x64xf32, #tpu.memory_space<hbm>> -> memref<1000000x64xf32, #tpu.memory_space<hbm>>
    tpu.wait_indirect_dma semaphore(%arg16 : memref<!tpu.dma_semaphore, #tpu.memory_space<semaphore_mem>>) src(%dma_wait3A_152 : memref<1000000x64xf32, #tpu.memory_space<hbm>>) dst(%dma_wait3A_146 : memref<128x64xf32, #tpu.memory_space<vmem>>)
    %dma_wait3A_153 = arith.constant 1 : i32
    %dma_wait3A_154 = arith.constant 128 : i32
    %dma_wait3A_155 = arith.constant 0 : i32
    %dma_wait3A_156 = tpu.memref_slice %arg13[%dma_wait3A_154, %dma_wait3A_155] : memref<256x64xf32, #tpu.memory_space<vmem>> -> memref<128x64xf32, #tpu.memory_space<vmem>>
    %dma_wait3A_157 = arith.constant 0 : i32
    %dma_wait3A_158 = tpu.memref_slice %arg10[%dma_wait3A_153, %dma_wait3A_157] : memref<2x128xi32, #tpu.memory_space<vmem>> -> memref<1x128xi32, #tpu.memory_space<vmem>>
    %dma_wait3A_159 = tpu.memref_squeeze %dma_wait3A_158 : memref<1x128xi32, #tpu.memory_space<vmem>> -> memref<128xi32, #tpu.memory_space<vmem>>
    %dma_wait3A_160 = arith.constant 0 : i32
    %dma_wait3A_161 = arith.constant 0 : i32
    %dma_wait3A_162 = tpu.memref_slice %arg5[%dma_wait3A_160, %dma_wait3A_161] : memref<1000000x64xf32, #tpu.memory_space<hbm>> -> memref<1000000x64xf32, #tpu.memory_space<hbm>>
    tpu.wait_indirect_dma semaphore(%arg16 : memref<!tpu.dma_semaphore, #tpu.memory_space<semaphore_mem>>) src(%dma_wait3A_162 : memref<1000000x64xf32, #tpu.memory_space<hbm>>) dst(%dma_wait3A_156 : memref<128x64xf32, #tpu.memory_space<vmem>>)
    %dma_wait3A_163 = arith.constant 1 : i32
    %dma_wait3A_164 = arith.constant 128 : i32
    %dma_wait3A_165 = arith.constant 0 : i32
    %dma_wait3A_166 = tpu.memref_slice %arg14[%dma_wait3A_164, %dma_wait3A_165] : memref<256x64xf32, #tpu.memory_space<vmem>> -> memref<128x64xf32, #tpu.memory_space<vmem>>
    %dma_wait3A_167 = arith.constant 0 : i32
    %dma_wait3A_168 = tpu.memref_slice %arg11[%dma_wait3A_163, %dma_wait3A_167] : memref<2x128xi32, #tpu.memory_space<vmem>> -> memref<1x128xi32, #tpu.memory_space<vmem>>
    %dma_wait3A_169 = tpu.memref_squeeze %dma_wait3A_168 : memref<1x128xi32, #tpu.memory_space<vmem>> -> memref<128xi32, #tpu.memory_space<vmem>>
    %dma_wait3A_170 = arith.constant 0 : i32
    %dma_wait3A_171 = arith.constant 0 : i32
    %dma_wait3A_172 = tpu.memref_slice %arg6[%dma_wait3A_170, %dma_wait3A_171] : memref<1000x64xf32, #tpu.memory_space<hbm>> -> memref<1000x64xf32, #tpu.memory_space<hbm>>
    tpu.wait_indirect_dma semaphore(%arg16 : memref<!tpu.dma_semaphore, #tpu.memory_space<semaphore_mem>>) src(%dma_wait3A_172 : memref<1000x64xf32, #tpu.memory_space<hbm>>) dst(%dma_wait3A_166 : memref<128x64xf32, #tpu.memory_space<vmem>>)
    %dma_wait3A_173 = arith.constant 1 : i32
    %dma_wait3A_174 = arith.constant 128 : i32
    %dma_wait3A_175 = arith.constant 0 : i32
    %dma_wait3A_176 = tpu.memref_slice %arg15[%dma_wait3A_174, %dma_wait3A_175] : memref<256x64xf32, #tpu.memory_space<vmem>> -> memref<128x64xf32, #tpu.memory_space<vmem>>
    %dma_wait3A_177 = arith.constant 0 : i32
    %dma_wait3A_178 = tpu.memref_slice %arg11[%dma_wait3A_173, %dma_wait3A_177] : memref<2x128xi32, #tpu.memory_space<vmem>> -> memref<1x128xi32, #tpu.memory_space<vmem>>
    %dma_wait3A_179 = tpu.memref_squeeze %dma_wait3A_178 : memref<1x128xi32, #tpu.memory_space<vmem>> -> memref<128xi32, #tpu.memory_space<vmem>>
    %dma_wait3A_180 = arith.constant 0 : i32
    %dma_wait3A_181 = arith.constant 0 : i32
    %dma_wait3A_182 = tpu.memref_slice %arg7[%dma_wait3A_180, %dma_wait3A_181] : memref<1000x64xf32, #tpu.memory_space<hbm>> -> memref<1000x64xf32, #tpu.memory_space<hbm>>
    tpu.wait_indirect_dma semaphore(%arg16 : memref<!tpu.dma_semaphore, #tpu.memory_space<semaphore_mem>>) src(%dma_wait3A_182 : memref<1000x64xf32, #tpu.memory_space<hbm>>) dst(%dma_wait3A_176 : memref<128x64xf32, #tpu.memory_space<vmem>>)
    %scan3A = arith.constant 0 : i32
    %scan3A_183 = arith.constant 0 : i32
    %scan3A_184 = arith.constant 256 : i32
    %scan3A_185 = arith.addi %scan3A_183, %scan3A_184 : i32
    %scan3A_186 = arith.constant 1 : i32
    %scan3A_187 = scf.for %scan3A_368 = %scan3A_183 to %scan3A_185 step %scan3A_186 iter_args(%scan3A_369 = %scan3A) -> (i32)  : i32 {
      %get3A = arith.index_cast %scan3A_368 : i32 to index
      %get3A_370 = arith.constant 0 : index
      %get3A_371 = tpu.vector_load %arg12[%get3A, %get3A_370] {strides = array<i32>} : memref<256x64xf32, #tpu.memory_space<vmem>>, vector<1x16xf32>,
      %get3A_372 = vector.shape_cast %get3A_371 : vector<1x16xf32> to vector<16xf32>
      %get3A_373 = arith.index_cast %scan3A_368 : i32 to index
      %get3A_374 = arith.constant 0 : index
      %get3A_375 = tpu.vector_load %arg13[%get3A_373, %get3A_374] {strides = array<i32>} : memref<256x64xf32, #tpu.memory_space<vmem>>, vector<1x16xf32>,
      %get3A_376 = vector.shape_cast %get3A_375 : vector<1x16xf32> to vector<16xf32>
      %sub3A = arith.subf %get3A_372, %get3A_376 : vector<16xf32>
      %get3A_377 = arith.index_cast %scan3A_368 : i32 to index
      %get3A_378 = arith.constant 0 : index
      %get3A_379 = tpu.vector_load %arg15[%get3A_377, %get3A_378] {strides = array<i32>} : memref<256x64xf32, #tpu.memory_space<vmem>>, vector<1x16xf32>,
      %get3A_380 = vector.shape_cast %get3A_379 : vector<1x16xf32> to vector<16xf32>
      %get3A_381 = arith.index_cast %scan3A_368 : i32 to index
      %get3A_382 = arith.constant 16 : index
      %get3A_383 = tpu.vector_load %arg12[%get3A_381, %get3A_382] {strides = array<i32>} : memref<256x64xf32, #tpu.memory_space<vmem>>, vector<1x16xf32>,
      %get3A_384 = vector.shape_cast %get3A_383 : vector<1x16xf32> to vector<16xf32>
      %get3A_385 = arith.index_cast %scan3A_368 : i32 to index
      %get3A_386 = arith.constant 16 : index
      %get3A_387 = tpu.vector_load %arg13[%get3A_385, %get3A_386] {strides = array<i32>} : memref<256x64xf32, #tpu.memory_space<vmem>>, vector<1x16xf32>,
      %get3A_388 = vector.shape_cast %get3A_387 : vector<1x16xf32> to vector<16xf32>
      %sub3A_389 = arith.subf %get3A_384, %get3A_388 : vector<16xf32>
      %get3A_390 = arith.index_cast %scan3A_368 : i32 to index
      %get3A_391 = arith.constant 16 : index
      %get3A_392 = tpu.vector_load %arg15[%get3A_390, %get3A_391] {strides = array<i32>} : memref<256x64xf32, #tpu.memory_space<vmem>>, vector<1x16xf32>,
      %get3A_393 = vector.shape_cast %get3A_392 : vector<1x16xf32> to vector<16xf32>
      %get3A_394 = arith.index_cast %scan3A_368 : i32 to index
      %get3A_395 = arith.constant 32 : index
      %get3A_396 = tpu.vector_load %arg12[%get3A_394, %get3A_395] {strides = array<i32>} : memref<256x64xf32, #tpu.memory_space<vmem>>, vector<1x16xf32>,
      %get3A_397 = vector.shape_cast %get3A_396 : vector<1x16xf32> to vector<16xf32>
      %get3A_398 = arith.index_cast %scan3A_368 : i32 to index
      %get3A_399 = arith.constant 32 : index
      %get3A_400 = tpu.vector_load %arg13[%get3A_398, %get3A_399] {strides = array<i32>} : memref<256x64xf32, #tpu.memory_space<vmem>>, vector<1x16xf32>,
      %get3A_401 = vector.shape_cast %get3A_400 : vector<1x16xf32> to vector<16xf32>
      %sub3A_402 = arith.subf %get3A_397, %get3A_401 : vector<16xf32>
      %get3A_403 = arith.index_cast %scan3A_368 : i32 to index
      %get3A_404 = arith.constant 32 : index
      %get3A_405 = tpu.vector_load %arg15[%get3A_403, %get3A_404] {strides = array<i32>} : memref<256x64xf32, #tpu.memory_space<vmem>>, vector<1x16xf32>,
      %get3A_406 = vector.shape_cast %get3A_405 : vector<1x16xf32> to vector<16xf32>
      %get3A_407 = arith.index_cast %scan3A_368 : i32 to index
      %get3A_408 = arith.constant 48 : index
      %get3A_409 = tpu.vector_load %arg12[%get3A_407, %get3A_408] {strides = array<i32>} : memref<256x64xf32, #tpu.memory_space<vmem>>, vector<1x16xf32>,
      %get3A_410 = vector.shape_cast %get3A_409 : vector<1x16xf32> to vector<16xf32>
      %get3A_411 = arith.index_cast %scan3A_368 : i32 to index
      %get3A_412 = arith.constant 48 : index
      %get3A_413 = tpu.vector_load %arg13[%get3A_411, %get3A_412] {strides = array<i32>} : memref<256x64xf32, #tpu.memory_space<vmem>>, vector<1x16xf32>,
      %get3A_414 = vector.shape_cast %get3A_413 : vector<1x16xf32> to vector<16xf32>
      %sub3A_415 = arith.subf %get3A_410, %get3A_414 : vector<16xf32>
      %get3A_416 = arith.index_cast %scan3A_368 : i32 to index
      %get3A_417 = arith.constant 48 : index
      %get3A_418 = tpu.vector_load %arg15[%get3A_416, %get3A_417] {strides = array<i32>} : memref<256x64xf32, #tpu.memory_space<vmem>>, vector<1x16xf32>,
      %get3A_419 = vector.shape_cast %get3A_418 : vector<1x16xf32> to vector<16xf32>
      %mul3A_420 = arith.mulf %sub3A, %get3A_380 : vector<16xf32>
      %mul3A_421 = arith.mulf %sub3A_389, %get3A_393 : vector<16xf32>
      %add3A_422 = arith.addf %mul3A_420, %mul3A_421 : vector<16xf32>
      %mul3A_423 = arith.mulf %sub3A_402, %get3A_406 : vector<16xf32>
      %add3A_424 = arith.addf %add3A_422, %mul3A_423 : vector<16xf32>
      %mul3A_425 = arith.mulf %sub3A_415, %get3A_419 : vector<16xf32>
      %add3A_426 = arith.addf %add3A_424, %mul3A_425 : vector<16xf32>
      %lt3A = arith.constant 0 : i32
      %lt3A_427 = vector.broadcast %lt3A : i32 to vector<16xi32>
      %lt3A_428 = arith.cmpi slt, %xor3A_4, %lt3A_427 : vector<16xi32>
      %add3A_429 = arith.constant 16 : i32
      %add3A_430 = vector.broadcast %add3A_429 : i32 to vector<16xi32>
      %add3A_431 = arith.addi %xor3A_4, %add3A_430 : vector<16xi32>
      %select_n3A = arith.select %lt3A_428, %add3A_431, %xor3A_4 : vector<16xi1>, vector<16xi32>
      %broadcast_in_dim3A = vector.shape_cast %select_n3A : vector<16xi32> to vector<16x1xi32>
      %gather3A = vector.shape_cast %broadcast_in_dim3A : vector<16x1xi32> to vector<16xi32>
      %gather3A_432 = tpu.dynamic_gather %add3A_426[%gather3A] in [0] : vector<16xf32>, vector<16xi32> -> vector<16xf32>
      %add3A_433 = arith.addf %add3A_426, %gather3A_432 : vector<16xf32>
      %lt3A_434 = arith.constant 0 : i32
      %lt3A_435 = vector.broadcast %lt3A_434 : i32 to vector<16xi32>
      %lt3A_436 = arith.cmpi slt, %xor3A_7, %lt3A_435 : vector<16xi32>
      %add3A_437 = arith.constant 16 : i32
      %add3A_438 = vector.broadcast %add3A_437 : i32 to vector<16xi32>
      %add3A_439 = arith.addi %xor3A_7, %add3A_438 : vector<16xi32>
      %select_n3A_440 = arith.select %lt3A_436, %add3A_439, %xor3A_7 : vector<16xi1>, vector<16xi32>
      %broadcast_in_dim3A_441 = vector.shape_cast %select_n3A_440 : vector<16xi32> to vector<16x1xi32>
      %gather3A_442 = vector.shape_cast %broadcast_in_dim3A_441 : vector<16x1xi32> to vector<16xi32>
      %gather3A_443 = tpu.dynamic_gather %add3A_433[%gather3A_442] in [0] : vector<16xf32>, vector<16xi32> -> vector<16xf32>
      %add3A_444 = arith.addf %add3A_433, %gather3A_443 : vector<16xf32>
      %lt3A_445 = arith.constant 0 : i32
      %lt3A_446 = vector.broadcast %lt3A_445 : i32 to vector<16xi32>
      %lt3A_447 = arith.cmpi slt, %xor3A_10, %lt3A_446 : vector<16xi32>
      %add3A_448 = arith.constant 16 : i32
      %add3A_449 = vector.broadcast %add3A_448 : i32 to vector<16xi32>
      %add3A_450 = arith.addi %xor3A_10, %add3A_449 : vector<16xi32>
      %select_n3A_451 = arith.select %lt3A_447, %add3A_450, %xor3A_10 : vector<16xi1>, vector<16xi32>
      %broadcast_in_dim3A_452 = vector.shape_cast %select_n3A_451 : vector<16xi32> to vector<16x1xi32>
      %gather3A_453 = vector.shape_cast %broadcast_in_dim3A_452 : vector<16x1xi32> to vector<16xi32>
      %gather3A_454 = tpu.dynamic_gather %add3A_444[%gather3A_453] in [0] : vector<16xf32>, vector<16xi32> -> vector<16xf32>
      %add3A_455 = arith.addf %add3A_444, %gather3A_454 : vector<16xf32>
      %lt3A_456 = arith.constant 0 : i32
      %lt3A_457 = vector.broadcast %lt3A_456 : i32 to vector<16xi32>
      %lt3A_458 = arith.cmpi slt, %xor3A_13, %lt3A_457 : vector<16xi32>
      %add3A_459 = arith.constant 16 : i32
      %add3A_460 = vector.broadcast %add3A_459 : i32 to vector<16xi32>
      %add3A_461 = arith.addi %xor3A_13, %add3A_460 : vector<16xi32>
      %select_n3A_462 = arith.select %lt3A_458, %add3A_461, %xor3A_13 : vector<16xi1>, vector<16xi32>
      %broadcast_in_dim3A_463 = vector.shape_cast %select_n3A_462 : vector<16xi32> to vector<16x1xi32>
      %gather3A_464 = vector.shape_cast %broadcast_in_dim3A_463 : vector<16x1xi32> to vector<16xi32>
      %gather3A_465 = tpu.dynamic_gather %add3A_455[%gather3A_464] in [0] : vector<16xf32>, vector<16xi32> -> vector<16xf32>
      %add3A_466 = arith.addf %add3A_455, %gather3A_465 : vector<16xf32>
      %get3A_467 = arith.index_cast %scan3A_368 : i32 to index
      %get3A_468 = arith.constant 0 : index
      %get3A_469 = tpu.vector_load %arg14[%get3A_467, %get3A_468] {strides = array<i32>} : memref<256x64xf32, #tpu.memory_space<vmem>>, vector<1x16xf32>,
      %get3A_470 = vector.shape_cast %get3A_469 : vector<1x16xf32> to vector<16xf32>
      %add3A_471 = arith.addf %sub3A, %get3A_470 : vector<16xf32>
      %mul3A_472 = arith.mulf %get3A_380, %add3A_466 : vector<16xf32>
      %sub3A_473 = arith.subf %add3A_471, %mul3A_472 : vector<16xf32>
      %swap3A = arith.index_cast %scan3A_368 : i32 to index
      %swap3A_474 = arith.constant 0 : index
      %swap3A_475 = tpu.vector_load %arg12[%swap3A, %swap3A_474] {strides = array<i32>} : memref<256x64xf32, #tpu.memory_space<vmem>>, vector<1x16xf32>,
      %swap3A_476 = vector.shape_cast %swap3A_475 : vector<1x16xf32> to vector<16xf32>
      %swap3A_477 = vector.shape_cast %sub3A_473 : vector<16xf32> to vector<1x16xf32>
      tpu.vector_store %arg12[%swap3A, %swap3A_474], %swap3A_477 {strides = array<i32>} : memref<256x64xf32, #tpu.memory_space<vmem>>, vector<1x16xf32>,
      %get3A_478 = arith.index_cast %scan3A_368 : i32 to index
      %get3A_479 = arith.constant 16 : index
      %get3A_480 = tpu.vector_load %arg14[%get3A_478, %get3A_479] {strides = array<i32>} : memref<256x64xf32, #tpu.memory_space<vmem>>, vector<1x16xf32>,
      %get3A_481 = vector.shape_cast %get3A_480 : vector<1x16xf32> to vector<16xf32>
      %add3A_482 = arith.addf %sub3A_389, %get3A_481 : vector<16xf32>
      %mul3A_483 = arith.mulf %get3A_393, %add3A_466 : vector<16xf32>
      %sub3A_484 = arith.subf %add3A_482, %mul3A_483 : vector<16xf32>
      %swap3A_485 = arith.index_cast %scan3A_368 : i32 to index
      %swap3A_486 = arith.constant 16 : index
      %swap3A_487 = tpu.vector_load %arg12[%swap3A_485, %swap3A_486] {strides = array<i32>} : memref<256x64xf32, #tpu.memory_space<vmem>>, vector<1x16xf32>,
      %swap3A_488 = vector.shape_cast %swap3A_487 : vector<1x16xf32> to vector<16xf32>
      %swap3A_489 = vector.shape_cast %sub3A_484 : vector<16xf32> to vector<1x16xf32>
      tpu.vector_store %arg12[%swap3A_485, %swap3A_486], %swap3A_489 {strides = array<i32>} : memref<256x64xf32, #tpu.memory_space<vmem>>, vector<1x16xf32>,
      %get3A_490 = arith.index_cast %scan3A_368 : i32 to index
      %get3A_491 = arith.constant 32 : index
      %get3A_492 = tpu.vector_load %arg14[%get3A_490, %get3A_491] {strides = array<i32>} : memref<256x64xf32, #tpu.memory_space<vmem>>, vector<1x16xf32>,
      %get3A_493 = vector.shape_cast %get3A_492 : vector<1x16xf32> to vector<16xf32>
      %add3A_494 = arith.addf %sub3A_402, %get3A_493 : vector<16xf32>
      %mul3A_495 = arith.mulf %get3A_406, %add3A_466 : vector<16xf32>
      %sub3A_496 = arith.subf %add3A_494, %mul3A_495 : vector<16xf32>
      %swap3A_497 = arith.index_cast %scan3A_368 : i32 to index
      %swap3A_498 = arith.constant 32 : index
      %swap3A_499 = tpu.vector_load %arg12[%swap3A_497, %swap3A_498] {strides = array<i32>} : memref<256x64xf32, #tpu.memory_space<vmem>>, vector<1x16xf32>,
      %swap3A_500 = vector.shape_cast %swap3A_499 : vector<1x16xf32> to vector<16xf32>
      %swap3A_501 = vector.shape_cast %sub3A_496 : vector<16xf32> to vector<1x16xf32>
      tpu.vector_store %arg12[%swap3A_497, %swap3A_498], %swap3A_501 {strides = array<i32>} : memref<256x64xf32, #tpu.memory_space<vmem>>, vector<1x16xf32>,
      %get3A_502 = arith.index_cast %scan3A_368 : i32 to index
      %get3A_503 = arith.constant 48 : index
      %get3A_504 = tpu.vector_load %arg14[%get3A_502, %get3A_503] {strides = array<i32>} : memref<256x64xf32, #tpu.memory_space<vmem>>, vector<1x16xf32>,
      %get3A_505 = vector.shape_cast %get3A_504 : vector<1x16xf32> to vector<16xf32>
      %add3A_506 = arith.addf %sub3A_415, %get3A_505 : vector<16xf32>
      %mul3A_507 = arith.mulf %get3A_419, %add3A_466 : vector<16xf32>
      %sub3A_508 = arith.subf %add3A_506, %mul3A_507 : vector<16xf32>
      %swap3A_509 = arith.index_cast %scan3A_368 : i32 to index
      %swap3A_510 = arith.constant 48 : index
      %swap3A_511 = tpu.vector_load %arg12[%swap3A_509, %swap3A_510] {strides = array<i32>} : memref<256x64xf32, #tpu.memory_space<vmem>>, vector<1x16xf32>,
      %swap3A_512 = vector.shape_cast %swap3A_511 : vector<1x16xf32> to vector<16xf32>
      %swap3A_513 = vector.shape_cast %sub3A_508 : vector<16xf32> to vector<1x16xf32>
      tpu.vector_store %arg12[%swap3A_509, %swap3A_510], %swap3A_513 {strides = array<i32>} : memref<256x64xf32, #tpu.memory_space<vmem>>, vector<1x16xf32>,
      %scan3A_514 = arith.constant 0 : i32
      scf.yield %scan3A_514 : i32
    }
    %scan3A_188 = arith.constant 256 : i32
    "tpu.region"() ({
      %run_scoped3A_368 = tpu.sem_alloc : memref<!tpu.dma_semaphore, #tpu.memory_space<semaphore_mem>>
      %dma_start3A_369 = arith.constant 0 : i32
      %dma_start3A_370 = tpu.memref_slice %arg8[%add3A_15, %dma_start3A_369] : memref<16384x64xf32, #tpu.memory_space<hbm>> -> memref<256x64xf32, #tpu.memory_space<hbm>>
      %dma_start3A_371 = arith.constant 0 : i32
      %dma_start3A_372 = tpu.memref_slice %arg8[%add3A_15, %dma_start3A_371] : memref<16384x64xf32, #tpu.memory_space<hbm>> -> memref<256x64xf32, #tpu.memory_space<hbm>>
      tpu.enqueue_dma source(%arg12 : memref<256x64xf32, #tpu.memory_space<vmem>>) target(%dma_start3A_372 : memref<256x64xf32, #tpu.memory_space<hbm>>) target_semaphore(%run_scoped3A_368 : memref<!tpu.dma_semaphore, #tpu.memory_space<semaphore_mem>>)
      %dma_wait3A_373 = arith.constant 0 : i32
      %dma_wait3A_374 = tpu.memref_slice %arg8[%add3A_15, %dma_wait3A_373] : memref<16384x64xf32, #tpu.memory_space<hbm>> -> memref<256x64xf32, #tpu.memory_space<hbm>>
      %dma_wait3A_375 = arith.constant 0 : i32
      %dma_wait3A_376 = tpu.memref_slice %arg8[%add3A_15, %dma_wait3A_375] : memref<16384x64xf32, #tpu.memory_space<hbm>> -> memref<256x64xf32, #tpu.memory_space<hbm>>
      tpu.wait_dma2 semaphore(%run_scoped3A_368 : memref<!tpu.dma_semaphore, #tpu.memory_space<semaphore_mem>>) src(%arg12 : memref<256x64xf32, #tpu.memory_space<vmem>>) dst(%dma_wait3A_376 : memref<256x64xf32, #tpu.memory_space<hbm>>)
      tpu.yield
    }) : () -> ()
    %add3A_189 = arith.constant 256 : i32
    %add3A_190 = arith.addi %mul3A_2, %add3A_189 : i32
    %add3A_191 = arith.constant 0 : i32
    %add3A_192 = arith.addi %add3A_190, %add3A_191 : i32
    %run_scoped3A_193 = arith.constant 0 : i32
    "tpu.region"() ({
      %run_scoped3A_368 = tpu.sem_alloc : memref<!tpu.dma_semaphore, #tpu.memory_space<semaphore_mem>>
      %dma_start3A_369 = arith.constant 0 : i32
      %dma_start3A_370 = tpu.memref_slice %arg9[%run_scoped3A_193, %dma_start3A_369] : memref<2x128xi32, #tpu.memory_space<vmem>> -> memref<1x128xi32, #tpu.memory_space<vmem>>
      %dma_start3A_371 = tpu.memref_squeeze %dma_start3A_370 : memref<1x128xi32, #tpu.memory_space<vmem>> -> memref<128xi32, #tpu.memory_space<vmem>>
      %dma_start3A_372 = tpu.memref_slice %arg2[%add3A_192] : memref<16384xi32, #tpu.memory_space<hbm>> -> memref<128xi32, #tpu.memory_space<hbm>>
      %dma_start3A_373 = arith.constant 0 : i32
      %dma_start3A_374 = tpu.memref_slice %arg9[%run_scoped3A_193, %dma_start3A_373] : memref<2x128xi32, #tpu.memory_space<vmem>> -> memref<1x128xi32, #tpu.memory_space<vmem>>
      %dma_start3A_375 = tpu.memref_squeeze %dma_start3A_374 : memref<1x128xi32, #tpu.memory_space<vmem>> -> memref<128xi32, #tpu.memory_space<vmem>>
      %dma_start3A_376 = tpu.memref_slice %arg2[%add3A_192] : memref<16384xi32, #tpu.memory_space<hbm>> -> memref<128xi32, #tpu.memory_space<hbm>>
      tpu.enqueue_dma source(%dma_start3A_376 : memref<128xi32, #tpu.memory_space<hbm>>) target(%dma_start3A_375 : memref<128xi32, #tpu.memory_space<vmem>>) target_semaphore(%run_scoped3A_368 : memref<!tpu.dma_semaphore, #tpu.memory_space<semaphore_mem>>)
      %dma_wait3A_377 = arith.constant 0 : i32
      %dma_wait3A_378 = tpu.memref_slice %arg9[%run_scoped3A_193, %dma_wait3A_377] : memref<2x128xi32, #tpu.memory_space<vmem>> -> memref<1x128xi32, #tpu.memory_space<vmem>>
      %dma_wait3A_379 = tpu.memref_squeeze %dma_wait3A_378 : memref<1x128xi32, #tpu.memory_space<vmem>> -> memref<128xi32, #tpu.memory_space<vmem>>
      %dma_wait3A_380 = tpu.memref_slice %arg2[%add3A_192] : memref<16384xi32, #tpu.memory_space<hbm>> -> memref<128xi32, #tpu.memory_space<hbm>>
      %dma_wait3A_381 = arith.constant 0 : i32
      %dma_wait3A_382 = tpu.memref_slice %arg9[%run_scoped3A_193, %dma_wait3A_381] : memref<2x128xi32, #tpu.memory_space<vmem>> -> memref<1x128xi32, #tpu.memory_space<vmem>>
      %dma_wait3A_383 = tpu.memref_squeeze %dma_wait3A_382 : memref<1x128xi32, #tpu.memory_space<vmem>> -> memref<128xi32, #tpu.memory_space<vmem>>
      %dma_wait3A_384 = tpu.memref_slice %arg2[%add3A_192] : memref<16384xi32, #tpu.memory_space<hbm>> -> memref<128xi32, #tpu.memory_space<hbm>>
      tpu.wait_dma2 semaphore(%run_scoped3A_368 : memref<!tpu.dma_semaphore, #tpu.memory_space<semaphore_mem>>) src(%dma_wait3A_384 : memref<128xi32, #tpu.memory_space<hbm>>) dst(%dma_wait3A_383 : memref<128xi32, #tpu.memory_space<vmem>>)
      tpu.yield
    }) : () -> ()
    %run_scoped3A_194 = arith.constant 0 : i32
    "tpu.region"() ({
      %run_scoped3A_368 = tpu.sem_alloc : memref<!tpu.dma_semaphore, #tpu.memory_space<semaphore_mem>>
      %dma_start3A_369 = arith.constant 0 : i32
      %dma_start3A_370 = tpu.memref_slice %arg10[%run_scoped3A_194, %dma_start3A_369] : memref<2x128xi32, #tpu.memory_space<vmem>> -> memref<1x128xi32, #tpu.memory_space<vmem>>
      %dma_start3A_371 = tpu.memref_squeeze %dma_start3A_370 : memref<1x128xi32, #tpu.memory_space<vmem>> -> memref<128xi32, #tpu.memory_space<vmem>>
      %dma_start3A_372 = tpu.memref_slice %arg4[%add3A_192] : memref<16384xi32, #tpu.memory_space<hbm>> -> memref<128xi32, #tpu.memory_space<hbm>>
      %dma_start3A_373 = arith.constant 0 : i32
      %dma_start3A_374 = tpu.memref_slice %arg10[%run_scoped3A_194, %dma_start3A_373] : memref<2x128xi32, #tpu.memory_space<vmem>> -> memref<1x128xi32, #tpu.memory_space<vmem>>
      %dma_start3A_375 = tpu.memref_squeeze %dma_start3A_374 : memref<1x128xi32, #tpu.memory_space<vmem>> -> memref<128xi32, #tpu.memory_space<vmem>>
      %dma_start3A_376 = tpu.memref_slice %arg4[%add3A_192] : memref<16384xi32, #tpu.memory_space<hbm>> -> memref<128xi32, #tpu.memory_space<hbm>>
      tpu.enqueue_dma source(%dma_start3A_376 : memref<128xi32, #tpu.memory_space<hbm>>) target(%dma_start3A_375 : memref<128xi32, #tpu.memory_space<vmem>>) target_semaphore(%run_scoped3A_368 : memref<!tpu.dma_semaphore, #tpu.memory_space<semaphore_mem>>)
      %dma_wait3A_377 = arith.constant 0 : i32
      %dma_wait3A_378 = tpu.memref_slice %arg10[%run_scoped3A_194, %dma_wait3A_377] : memref<2x128xi32, #tpu.memory_space<vmem>> -> memref<1x128xi32, #tpu.memory_space<vmem>>
      %dma_wait3A_379 = tpu.memref_squeeze %dma_wait3A_378 : memref<1x128xi32, #tpu.memory_space<vmem>> -> memref<128xi32, #tpu.memory_space<vmem>>
      %dma_wait3A_380 = tpu.memref_slice %arg4[%add3A_192] : memref<16384xi32, #tpu.memory_space<hbm>> -> memref<128xi32, #tpu.memory_space<hbm>>
      %dma_wait3A_381 = arith.constant 0 : i32
      %dma_wait3A_382 = tpu.memref_slice %arg10[%run_scoped3A_194, %dma_wait3A_381] : memref<2x128xi32, #tpu.memory_space<vmem>> -> memref<1x128xi32, #tpu.memory_space<vmem>>
      %dma_wait3A_383 = tpu.memref_squeeze %dma_wait3A_382 : memref<1x128xi32, #tpu.memory_space<vmem>> -> memref<128xi32, #tpu.memory_space<vmem>>
      %dma_wait3A_384 = tpu.memref_slice %arg4[%add3A_192] : memref<16384xi32, #tpu.memory_space<hbm>> -> memref<128xi32, #tpu.memory_space<hbm>>
      tpu.wait_dma2 semaphore(%run_scoped3A_368 : memref<!tpu.dma_semaphore, #tpu.memory_space<semaphore_mem>>) src(%dma_wait3A_384 : memref<128xi32, #tpu.memory_space<hbm>>) dst(%dma_wait3A_383 : memref<128xi32, #tpu.memory_space<vmem>>)
      tpu.yield
    }) : () -> ()
    %run_scoped3A_195 = arith.constant 0 : i32
    "tpu.region"() ({
      %run_scoped3A_368 = tpu.sem_alloc : memref<!tpu.dma_semaphore, #tpu.memory_space<semaphore_mem>>
      %dma_start3A_369 = arith.constant 0 : i32
      %dma_start3A_370 = tpu.memref_slice %arg11[%run_scoped3A_195, %dma_start3A_369] : memref<2x128xi32, #tpu.memory_space<vmem>> -> memref<1x128xi32, #tpu.memory_space<vmem>>
      %dma_start3A_371 = tpu.memref_squeeze %dma_start3A_370 : memref<1x128xi32, #tpu.memory_space<vmem>> -> memref<128xi32, #tpu.memory_space<vmem>>
      %dma_start3A_372 = tpu.memref_slice %arg3[%add3A_192] : memref<16384xi32, #tpu.memory_space<hbm>> -> memref<128xi32, #tpu.memory_space<hbm>>
      %dma_start3A_373 = arith.constant 0 : i32
      %dma_start3A_374 = tpu.memref_slice %arg11[%run_scoped3A_195, %dma_start3A_373] : memref<2x128xi32, #tpu.memory_space<vmem>> -> memref<1x128xi32, #tpu.memory_space<vmem>>
      %dma_start3A_375 = tpu.memref_squeeze %dma_start3A_374 : memref<1x128xi32, #tpu.memory_space<vmem>> -> memref<128xi32, #tpu.memory_space<vmem>>
      %dma_start3A_376 = tpu.memref_slice %arg3[%add3A_192] : memref<16384xi32, #tpu.memory_space<hbm>> -> memref<128xi32, #tpu.memory_space<hbm>>
      tpu.enqueue_dma source(%dma_start3A_376 : memref<128xi32, #tpu.memory_space<hbm>>) target(%dma_start3A_375 : memref<128xi32, #tpu.memory_space<vmem>>) target_semaphore(%run_scoped3A_368 : memref<!tpu.dma_semaphore, #tpu.memory_space<semaphore_mem>>)
      %dma_wait3A_377 = arith.constant 0 : i32
      %dma_wait3A_378 = tpu.memref_slice %arg11[%run_scoped3A_195, %dma_wait3A_377] : memref<2x128xi32, #tpu.memory_space<vmem>> -> memref<1x128xi32, #tpu.memory_space<vmem>>
      %dma_wait3A_379 = tpu.memref_squeeze %dma_wait3A_378 : memref<1x128xi32, #tpu.memory_space<vmem>> -> memref<128xi32, #tpu.memory_space<vmem>>
      %dma_wait3A_380 = tpu.memref_slice %arg3[%add3A_192] : memref<16384xi32, #tpu.memory_space<hbm>> -> memref<128xi32, #tpu.memory_space<hbm>>
      %dma_wait3A_381 = arith.constant 0 : i32
      %dma_wait3A_382 = tpu.memref_slice %arg11[%run_scoped3A_195, %dma_wait3A_381] : memref<2x128xi32, #tpu.memory_space<vmem>> -> memref<1x128xi32, #tpu.memory_space<vmem>>
      %dma_wait3A_383 = tpu.memref_squeeze %dma_wait3A_382 : memref<1x128xi32, #tpu.memory_space<vmem>> -> memref<128xi32, #tpu.memory_space<vmem>>
      %dma_wait3A_384 = tpu.memref_slice %arg3[%add3A_192] : memref<16384xi32, #tpu.memory_space<hbm>> -> memref<128xi32, #tpu.memory_space<hbm>>
      tpu.wait_dma2 semaphore(%run_scoped3A_368 : memref<!tpu.dma_semaphore, #tpu.memory_space<semaphore_mem>>) src(%dma_wait3A_384 : memref<128xi32, #tpu.memory_space<hbm>>) dst(%dma_wait3A_383 : memref<128xi32, #tpu.memory_space<vmem>>)
      tpu.yield
    }) : () -> ()
    %add3A_196 = arith.constant 128 : i32
    %add3A_197 = arith.addi %add3A_190, %add3A_196 : i32
    %run_scoped3A_198 = arith.constant 1 : i32
    "tpu.region"() ({
      %run_scoped3A_368 = tpu.sem_alloc : memref<!tpu.dma_semaphore, #tpu.memory_space<semaphore_mem>>
      %dma_start3A_369 = arith.constant 0 : i32
      %dma_start3A_370 = tpu.memref_slice %arg9[%run_scoped3A_198, %dma_start3A_369] : memref<2x128xi32, #tpu.memory_space<vmem>> -> memref<1x128xi32, #tpu.memory_space<vmem>>
      %dma_start3A_371 = tpu.memref_squeeze %dma_start3A_370 : memref<1x128xi32, #tpu.memory_space<vmem>> -> memref<128xi32, #tpu.memory_space<vmem>>
      %dma_start3A_372 = tpu.memref_slice %arg2[%add3A_197] : memref<16384xi32, #tpu.memory_space<hbm>> -> memref<128xi32, #tpu.memory_space<hbm>>
      %dma_start3A_373 = arith.constant 0 : i32
      %dma_start3A_374 = tpu.memref_slice %arg9[%run_scoped3A_198, %dma_start3A_373] : memref<2x128xi32, #tpu.memory_space<vmem>> -> memref<1x128xi32, #tpu.memory_space<vmem>>
      %dma_start3A_375 = tpu.memref_squeeze %dma_start3A_374 : memref<1x128xi32, #tpu.memory_space<vmem>> -> memref<128xi32, #tpu.memory_space<vmem>>
      %dma_start3A_376 = tpu.memref_slice %arg2[%add3A_197] : memref<16384xi32, #tpu.memory_space<hbm>> -> memref<128xi32, #tpu.memory_space<hbm>>
      tpu.enqueue_dma source(%dma_start3A_376 : memref<128xi32, #tpu.memory_space<hbm>>) target(%dma_start3A_375 : memref<128xi32, #tpu.memory_space<vmem>>) target_semaphore(%run_scoped3A_368 : memref<!tpu.dma_semaphore, #tpu.memory_space<semaphore_mem>>)
      %dma_wait3A_377 = arith.constant 0 : i32
      %dma_wait3A_378 = tpu.memref_slice %arg9[%run_scoped3A_198, %dma_wait3A_377] : memref<2x128xi32, #tpu.memory_space<vmem>> -> memref<1x128xi32, #tpu.memory_space<vmem>>
      %dma_wait3A_379 = tpu.memref_squeeze %dma_wait3A_378 : memref<1x128xi32, #tpu.memory_space<vmem>> -> memref<128xi32, #tpu.memory_space<vmem>>
      %dma_wait3A_380 = tpu.memref_slice %arg2[%add3A_197] : memref<16384xi32, #tpu.memory_space<hbm>> -> memref<128xi32, #tpu.memory_space<hbm>>
      %dma_wait3A_381 = arith.constant 0 : i32
      %dma_wait3A_382 = tpu.memref_slice %arg9[%run_scoped3A_198, %dma_wait3A_381] : memref<2x128xi32, #tpu.memory_space<vmem>> -> memref<1x128xi32, #tpu.memory_space<vmem>>
      %dma_wait3A_383 = tpu.memref_squeeze %dma_wait3A_382 : memref<1x128xi32, #tpu.memory_space<vmem>> -> memref<128xi32, #tpu.memory_space<vmem>>
      %dma_wait3A_384 = tpu.memref_slice %arg2[%add3A_197] : memref<16384xi32, #tpu.memory_space<hbm>> -> memref<128xi32, #tpu.memory_space<hbm>>
      tpu.wait_dma2 semaphore(%run_scoped3A_368 : memref<!tpu.dma_semaphore, #tpu.memory_space<semaphore_mem>>) src(%dma_wait3A_384 : memref<128xi32, #tpu.memory_space<hbm>>) dst(%dma_wait3A_383 : memref<128xi32, #tpu.memory_space<vmem>>)
      tpu.yield
    }) : () -> ()
    %run_scoped3A_199 = arith.constant 1 : i32
    "tpu.region"() ({
      %run_scoped3A_368 = tpu.sem_alloc : memref<!tpu.dma_semaphore, #tpu.memory_space<semaphore_mem>>
      %dma_start3A_369 = arith.constant 0 : i32
      %dma_start3A_370 = tpu.memref_slice %arg10[%run_scoped3A_199, %dma_start3A_369] : memref<2x128xi32, #tpu.memory_space<vmem>> -> memref<1x128xi32, #tpu.memory_space<vmem>>
      %dma_start3A_371 = tpu.memref_squeeze %dma_start3A_370 : memref<1x128xi32, #tpu.memory_space<vmem>> -> memref<128xi32, #tpu.memory_space<vmem>>
      %dma_start3A_372 = tpu.memref_slice %arg4[%add3A_197] : memref<16384xi32, #tpu.memory_space<hbm>> -> memref<128xi32, #tpu.memory_space<hbm>>
      %dma_start3A_373 = arith.constant 0 : i32
      %dma_start3A_374 = tpu.memref_slice %arg10[%run_scoped3A_199, %dma_start3A_373] : memref<2x128xi32, #tpu.memory_space<vmem>> -> memref<1x128xi32, #tpu.memory_space<vmem>>
      %dma_start3A_375 = tpu.memref_squeeze %dma_start3A_374 : memref<1x128xi32, #tpu.memory_space<vmem>> -> memref<128xi32, #tpu.memory_space<vmem>>
      %dma_start3A_376 = tpu.memref_slice %arg4[%add3A_197] : memref<16384xi32, #tpu.memory_space<hbm>> -> memref<128xi32, #tpu.memory_space<hbm>>
      tpu.enqueue_dma source(%dma_start3A_376 : memref<128xi32, #tpu.memory_space<hbm>>) target(%dma_start3A_375 : memref<128xi32, #tpu.memory_space<vmem>>) target_semaphore(%run_scoped3A_368 : memref<!tpu.dma_semaphore, #tpu.memory_space<semaphore_mem>>)
      %dma_wait3A_377 = arith.constant 0 : i32
      %dma_wait3A_378 = tpu.memref_slice %arg10[%run_scoped3A_199, %dma_wait3A_377] : memref<2x128xi32, #tpu.memory_space<vmem>> -> memref<1x128xi32, #tpu.memory_space<vmem>>
      %dma_wait3A_379 = tpu.memref_squeeze %dma_wait3A_378 : memref<1x128xi32, #tpu.memory_space<vmem>> -> memref<128xi32, #tpu.memory_space<vmem>>
      %dma_wait3A_380 = tpu.memref_slice %arg4[%add3A_197] : memref<16384xi32, #tpu.memory_space<hbm>> -> memref<128xi32, #tpu.memory_space<hbm>>
      %dma_wait3A_381 = arith.constant 0 : i32
      %dma_wait3A_382 = tpu.memref_slice %arg10[%run_scoped3A_199, %dma_wait3A_381] : memref<2x128xi32, #tpu.memory_space<vmem>> -> memref<1x128xi32, #tpu.memory_space<vmem>>
      %dma_wait3A_383 = tpu.memref_squeeze %dma_wait3A_382 : memref<1x128xi32, #tpu.memory_space<vmem>> -> memref<128xi32, #tpu.memory_space<vmem>>
      %dma_wait3A_384 = tpu.memref_slice %arg4[%add3A_197] : memref<16384xi32, #tpu.memory_space<hbm>> -> memref<128xi32, #tpu.memory_space<hbm>>
      tpu.wait_dma2 semaphore(%run_scoped3A_368 : memref<!tpu.dma_semaphore, #tpu.memory_space<semaphore_mem>>) src(%dma_wait3A_384 : memref<128xi32, #tpu.memory_space<hbm>>) dst(%dma_wait3A_383 : memref<128xi32, #tpu.memory_space<vmem>>)
      tpu.yield
    }) : () -> ()
    %run_scoped3A_200 = arith.constant 1 : i32
    "tpu.region"() ({
      %run_scoped3A_368 = tpu.sem_alloc : memref<!tpu.dma_semaphore, #tpu.memory_space<semaphore_mem>>
      %dma_start3A_369 = arith.constant 0 : i32
      %dma_start3A_370 = tpu.memref_slice %arg11[%run_scoped3A_200, %dma_start3A_369] : memref<2x128xi32, #tpu.memory_space<vmem>> -> memref<1x128xi32, #tpu.memory_space<vmem>>
      %dma_start3A_371 = tpu.memref_squeeze %dma_start3A_370 : memref<1x128xi32, #tpu.memory_space<vmem>> -> memref<128xi32, #tpu.memory_space<vmem>>
      %dma_start3A_372 = tpu.memref_slice %arg3[%add3A_197] : memref<16384xi32, #tpu.memory_space<hbm>> -> memref<128xi32, #tpu.memory_space<hbm>>
      %dma_start3A_373 = arith.constant 0 : i32
      %dma_start3A_374 = tpu.memref_slice %arg11[%run_scoped3A_200, %dma_start3A_373] : memref<2x128xi32, #tpu.memory_space<vmem>> -> memref<1x128xi32, #tpu.memory_space<vmem>>
      %dma_start3A_375 = tpu.memref_squeeze %dma_start3A_374 : memref<1x128xi32, #tpu.memory_space<vmem>> -> memref<128xi32, #tpu.memory_space<vmem>>
      %dma_start3A_376 = tpu.memref_slice %arg3[%add3A_197] : memref<16384xi32, #tpu.memory_space<hbm>> -> memref<128xi32, #tpu.memory_space<hbm>>
      tpu.enqueue_dma source(%dma_start3A_376 : memref<128xi32, #tpu.memory_space<hbm>>) target(%dma_start3A_375 : memref<128xi32, #tpu.memory_space<vmem>>) target_semaphore(%run_scoped3A_368 : memref<!tpu.dma_semaphore, #tpu.memory_space<semaphore_mem>>)
      %dma_wait3A_377 = arith.constant 0 : i32
      %dma_wait3A_378 = tpu.memref_slice %arg11[%run_scoped3A_200, %dma_wait3A_377] : memref<2x128xi32, #tpu.memory_space<vmem>> -> memref<1x128xi32, #tpu.memory_space<vmem>>
      %dma_wait3A_379 = tpu.memref_squeeze %dma_wait3A_378 : memref<1x128xi32, #tpu.memory_space<vmem>> -> memref<128xi32, #tpu.memory_space<vmem>>
      %dma_wait3A_380 = tpu.memref_slice %arg3[%add3A_197] : memref<16384xi32, #tpu.memory_space<hbm>> -> memref<128xi32, #tpu.memory_space<hbm>>
      %dma_wait3A_381 = arith.constant 0 : i32
      %dma_wait3A_382 = tpu.memref_slice %arg11[%run_scoped3A_200, %dma_wait3A_381] : memref<2x128xi32, #tpu.memory_space<vmem>> -> memref<1x128xi32, #tpu.memory_space<vmem>>
      %dma_wait3A_383 = tpu.memref_squeeze %dma_wait3A_382 : memref<1x128xi32, #tpu.memory_space<vmem>> -> memref<128xi32, #tpu.memory_space<vmem>>
      %dma_wait3A_384 = tpu.memref_slice %arg3[%add3A_197] : memref<16384xi32, #tpu.memory_space<hbm>> -> memref<128xi32, #tpu.memory_space<hbm>>
      tpu.wait_dma2 semaphore(%run_scoped3A_368 : memref<!tpu.dma_semaphore, #tpu.memory_space<semaphore_mem>>) src(%dma_wait3A_384 : memref<128xi32, #tpu.memory_space<hbm>>) dst(%dma_wait3A_383 : memref<128xi32, #tpu.memory_space<vmem>>)
      tpu.yield
    }) : () -> ()
    %dma_start3A_201 = arith.constant 0 : i32
    %dma_start3A_202 = arith.constant 0 : i32
    %dma_start3A_203 = arith.constant 0 : i32
    %dma_start3A_204 = tpu.memref_slice %arg12[%dma_start3A_202, %dma_start3A_203] : memref<256x64xf32, #tpu.memory_space<vmem>> -> memref<128x64xf32, #tpu.memory_space<vmem>>
    %dma_start3A_205 = arith.constant 0 : i32
    %dma_start3A_206 = tpu.memref_slice %arg9[%dma_start3A_201, %dma_start3A_205] : memref<2x128xi32, #tpu.memory_space<vmem>> -> memref<1x128xi32, #tpu.memory_space<vmem>>
    %dma_start3A_207 = tpu.memref_squeeze %dma_start3A_206 : memref<1x128xi32, #tpu.memory_space<vmem>> -> memref<128xi32, #tpu.memory_space<vmem>>
    %dma_start3A_208 = arith.constant 0 : i32
    %dma_start3A_209 = arith.constant 0 : i32
    %dma_start3A_210 = tpu.memref_slice %arg5[%dma_start3A_208, %dma_start3A_209] : memref<1000000x64xf32, #tpu.memory_space<hbm>> -> memref<1000000x64xf32, #tpu.memory_space<hbm>>
    tpu.enqueue_indirect_dma source(%dma_start3A_210 : memref<1000000x64xf32, #tpu.memory_space<hbm>>) target(%dma_start3A_204 : memref<128x64xf32, #tpu.memory_space<vmem>>) offsets(%dma_start3A_207 : memref<128xi32, #tpu.memory_space<vmem>>) semaphore(%arg16 : memref<!tpu.dma_semaphore, #tpu.memory_space<semaphore_mem>>)
    %dma_start3A_211 = arith.constant 0 : i32
    %dma_start3A_212 = arith.constant 0 : i32
    %dma_start3A_213 = arith.constant 0 : i32
    %dma_start3A_214 = tpu.memref_slice %arg13[%dma_start3A_212, %dma_start3A_213] : memref<256x64xf32, #tpu.memory_space<vmem>> -> memref<128x64xf32, #tpu.memory_space<vmem>>
    %dma_start3A_215 = arith.constant 0 : i32
    %dma_start3A_216 = tpu.memref_slice %arg10[%dma_start3A_211, %dma_start3A_215] : memref<2x128xi32, #tpu.memory_space<vmem>> -> memref<1x128xi32, #tpu.memory_space<vmem>>
    %dma_start3A_217 = tpu.memref_squeeze %dma_start3A_216 : memref<1x128xi32, #tpu.memory_space<vmem>> -> memref<128xi32, #tpu.memory_space<vmem>>
    %dma_start3A_218 = arith.constant 0 : i32
    %dma_start3A_219 = arith.constant 0 : i32
    %dma_start3A_220 = tpu.memref_slice %arg5[%dma_start3A_218, %dma_start3A_219] : memref<1000000x64xf32, #tpu.memory_space<hbm>> -> memref<1000000x64xf32, #tpu.memory_space<hbm>>
    tpu.enqueue_indirect_dma source(%dma_start3A_220 : memref<1000000x64xf32, #tpu.memory_space<hbm>>) target(%dma_start3A_214 : memref<128x64xf32, #tpu.memory_space<vmem>>) offsets(%dma_start3A_217 : memref<128xi32, #tpu.memory_space<vmem>>) semaphore(%arg16 : memref<!tpu.dma_semaphore, #tpu.memory_space<semaphore_mem>>)
    %dma_start3A_221 = arith.constant 0 : i32
    %dma_start3A_222 = arith.constant 0 : i32
    %dma_start3A_223 = arith.constant 0 : i32
    %dma_start3A_224 = tpu.memref_slice %arg14[%dma_start3A_222, %dma_start3A_223] : memref<256x64xf32, #tpu.memory_space<vmem>> -> memref<128x64xf32, #tpu.memory_space<vmem>>
    %dma_start3A_225 = arith.constant 0 : i32
    %dma_start3A_226 = tpu.memref_slice %arg11[%dma_start3A_221, %dma_start3A_225] : memref<2x128xi32, #tpu.memory_space<vmem>> -> memref<1x128xi32, #tpu.memory_space<vmem>>
    %dma_start3A_227 = tpu.memref_squeeze %dma_start3A_226 : memref<1x128xi32, #tpu.memory_space<vmem>> -> memref<128xi32, #tpu.memory_space<vmem>>
    %dma_start3A_228 = arith.constant 0 : i32
    %dma_start3A_229 = arith.constant 0 : i32
    %dma_start3A_230 = tpu.memref_slice %arg6[%dma_start3A_228, %dma_start3A_229] : memref<1000x64xf32, #tpu.memory_space<hbm>> -> memref<1000x64xf32, #tpu.memory_space<hbm>>
    tpu.enqueue_indirect_dma source(%dma_start3A_230 : memref<1000x64xf32, #tpu.memory_space<hbm>>) target(%dma_start3A_224 : memref<128x64xf32, #tpu.memory_space<vmem>>) offsets(%dma_start3A_227 : memref<128xi32, #tpu.memory_space<vmem>>) semaphore(%arg16 : memref<!tpu.dma_semaphore, #tpu.memory_space<semaphore_mem>>)
    %dma_start3A_231 = arith.constant 0 : i32
    %dma_start3A_232 = arith.constant 0 : i32
    %dma_start3A_233 = arith.constant 0 : i32
    %dma_start3A_234 = tpu.memref_slice %arg15[%dma_start3A_232, %dma_start3A_233] : memref<256x64xf32, #tpu.memory_space<vmem>> -> memref<128x64xf32, #tpu.memory_space<vmem>>
    %dma_start3A_235 = arith.constant 0 : i32
    %dma_start3A_236 = tpu.memref_slice %arg11[%dma_start3A_231, %dma_start3A_235] : memref<2x128xi32, #tpu.memory_space<vmem>> -> memref<1x128xi32, #tpu.memory_space<vmem>>
    %dma_start3A_237 = tpu.memref_squeeze %dma_start3A_236 : memref<1x128xi32, #tpu.memory_space<vmem>> -> memref<128xi32, #tpu.memory_space<vmem>>
    %dma_start3A_238 = arith.constant 0 : i32
    %dma_start3A_239 = arith.constant 0 : i32
    %dma_start3A_240 = tpu.memref_slice %arg7[%dma_start3A_238, %dma_start3A_239] : memref<1000x64xf32, #tpu.memory_space<hbm>> -> memref<1000x64xf32, #tpu.memory_space<hbm>>
    tpu.enqueue_indirect_dma source(%dma_start3A_240 : memref<1000x64xf32, #tpu.memory_space<hbm>>) target(%dma_start3A_234 : memref<128x64xf32, #tpu.memory_space<vmem>>) offsets(%dma_start3A_237 : memref<128xi32, #tpu.memory_space<vmem>>) semaphore(%arg16 : memref<!tpu.dma_semaphore, #tpu.memory_space<semaphore_mem>>)
    %dma_start3A_241 = arith.constant 1 : i32
    %dma_start3A_242 = arith.constant 128 : i32
    %dma_start3A_243 = arith.constant 0 : i32
    %dma_start3A_244 = tpu.memref_slice %arg12[%dma_start3A_242, %dma_start3A_243] : memref<256x64xf32, #tpu.memory_space<vmem>> -> memref<128x64xf32, #tpu.memory_space<vmem>>
    %dma_start3A_245 = arith.constant 0 : i32
    %dma_start3A_246 = tpu.memref_slice %arg9[%dma_start3A_241, %dma_start3A_245] : memref<2x128xi32, #tpu.memory_space<vmem>> -> memref<1x128xi32, #tpu.memory_space<vmem>>
    %dma_start3A_247 = tpu.memref_squeeze %dma_start3A_246 : memref<1x128xi32, #tpu.memory_space<vmem>> -> memref<128xi32, #tpu.memory_space<vmem>>
    %dma_start3A_248 = arith.constant 0 : i32
    %dma_start3A_249 = arith.constant 0 : i32
    %dma_start3A_250 = tpu.memref_slice %arg5[%dma_start3A_248, %dma_start3A_249] : memref<1000000x64xf32, #tpu.memory_space<hbm>> -> memref<1000000x64xf32, #tpu.memory_space<hbm>>
    tpu.enqueue_indirect_dma source(%dma_start3A_250 : memref<1000000x64xf32, #tpu.memory_space<hbm>>) target(%dma_start3A_244 : memref<128x64xf32, #tpu.memory_space<vmem>>) offsets(%dma_start3A_247 : memref<128xi32, #tpu.memory_space<vmem>>) semaphore(%arg16 : memref<!tpu.dma_semaphore, #tpu.memory_space<semaphore_mem>>)
    %dma_start3A_251 = arith.constant 1 : i32
    %dma_start3A_252 = arith.constant 128 : i32
    %dma_start3A_253 = arith.constant 0 : i32
    %dma_start3A_254 = tpu.memref_slice %arg13[%dma_start3A_252, %dma_start3A_253] : memref<256x64xf32, #tpu.memory_space<vmem>> -> memref<128x64xf32, #tpu.memory_space<vmem>>
    %dma_start3A_255 = arith.constant 0 : i32
    %dma_start3A_256 = tpu.memref_slice %arg10[%dma_start3A_251, %dma_start3A_255] : memref<2x128xi32, #tpu.memory_space<vmem>> -> memref<1x128xi32, #tpu.memory_space<vmem>>
    %dma_start3A_257 = tpu.memref_squeeze %dma_start3A_256 : memref<1x128xi32, #tpu.memory_space<vmem>> -> memref<128xi32, #tpu.memory_space<vmem>>
    %dma_start3A_258 = arith.constant 0 : i32
    %dma_start3A_259 = arith.constant 0 : i32
    %dma_start3A_260 = tpu.memref_slice %arg5[%dma_start3A_258, %dma_start3A_259] : memref<1000000x64xf32, #tpu.memory_space<hbm>> -> memref<1000000x64xf32, #tpu.memory_space<hbm>>
    tpu.enqueue_indirect_dma source(%dma_start3A_260 : memref<1000000x64xf32, #tpu.memory_space<hbm>>) target(%dma_start3A_254 : memref<128x64xf32, #tpu.memory_space<vmem>>) offsets(%dma_start3A_257 : memref<128xi32, #tpu.memory_space<vmem>>) semaphore(%arg16 : memref<!tpu.dma_semaphore, #tpu.memory_space<semaphore_mem>>)
    %dma_start3A_261 = arith.constant 1 : i32
    %dma_start3A_262 = arith.constant 128 : i32
    %dma_start3A_263 = arith.constant 0 : i32
    %dma_start3A_264 = tpu.memref_slice %arg14[%dma_start3A_262, %dma_start3A_263] : memref<256x64xf32, #tpu.memory_space<vmem>> -> memref<128x64xf32, #tpu.memory_space<vmem>>
    %dma_start3A_265 = arith.constant 0 : i32
    %dma_start3A_266 = tpu.memref_slice %arg11[%dma_start3A_261, %dma_start3A_265] : memref<2x128xi32, #tpu.memory_space<vmem>> -> memref<1x128xi32, #tpu.memory_space<vmem>>
    %dma_start3A_267 = tpu.memref_squeeze %dma_start3A_266 : memref<1x128xi32, #tpu.memory_space<vmem>> -> memref<128xi32, #tpu.memory_space<vmem>>
    %dma_start3A_268 = arith.constant 0 : i32
    %dma_start3A_269 = arith.constant 0 : i32
    %dma_start3A_270 = tpu.memref_slice %arg6[%dma_start3A_268, %dma_start3A_269] : memref<1000x64xf32, #tpu.memory_space<hbm>> -> memref<1000x64xf32, #tpu.memory_space<hbm>>
    tpu.enqueue_indirect_dma source(%dma_start3A_270 : memref<1000x64xf32, #tpu.memory_space<hbm>>) target(%dma_start3A_264 : memref<128x64xf32, #tpu.memory_space<vmem>>) offsets(%dma_start3A_267 : memref<128xi32, #tpu.memory_space<vmem>>) semaphore(%arg16 : memref<!tpu.dma_semaphore, #tpu.memory_space<semaphore_mem>>)
    %dma_start3A_271 = arith.constant 1 : i32
    %dma_start3A_272 = arith.constant 128 : i32
    %dma_start3A_273 = arith.constant 0 : i32
    %dma_start3A_274 = tpu.memref_slice %arg15[%dma_start3A_272, %dma_start3A_273] : memref<256x64xf32, #tpu.memory_space<vmem>> -> memref<128x64xf32, #tpu.memory_space<vmem>>
    %dma_start3A_275 = arith.constant 0 : i32
    %dma_start3A_276 = tpu.memref_slice %arg11[%dma_start3A_271, %dma_start3A_275] : memref<2x128xi32, #tpu.memory_space<vmem>> -> memref<1x128xi32, #tpu.memory_space<vmem>>
    %dma_start3A_277 = tpu.memref_squeeze %dma_start3A_276 : memref<1x128xi32, #tpu.memory_space<vmem>> -> memref<128xi32, #tpu.memory_space<vmem>>
    %dma_start3A_278 = arith.constant 0 : i32
    %dma_start3A_279 = arith.constant 0 : i32
    %dma_start3A_280 = tpu.memref_slice %arg7[%dma_start3A_278, %dma_start3A_279] : memref<1000x64xf32, #tpu.memory_space<hbm>> -> memref<1000x64xf32, #tpu.memory_space<hbm>>
    tpu.enqueue_indirect_dma source(%dma_start3A_280 : memref<1000x64xf32, #tpu.memory_space<hbm>>) target(%dma_start3A_274 : memref<128x64xf32, #tpu.memory_space<vmem>>) offsets(%dma_start3A_277 : memref<128xi32, #tpu.memory_space<vmem>>) semaphore(%arg16 : memref<!tpu.dma_semaphore, #tpu.memory_space<semaphore_mem>>)
    %dma_wait3A_281 = arith.constant 0 : i32
    %dma_wait3A_282 = arith.constant 0 : i32
    %dma_wait3A_283 = arith.constant 0 : i32
    %dma_wait3A_284 = tpu.memref_slice %arg12[%dma_wait3A_282, %dma_wait3A_283] : memref<256x64xf32, #tpu.memory_space<vmem>> -> memref<128x64xf32, #tpu.memory_space<vmem>>
    %dma_wait3A_285 = arith.constant 0 : i32
    %dma_wait3A_286 = tpu.memref_slice %arg9[%dma_wait3A_281, %dma_wait3A_285] : memref<2x128xi32, #tpu.memory_space<vmem>> -> memref<1x128xi32, #tpu.memory_space<vmem>>
    %dma_wait3A_287 = tpu.memref_squeeze %dma_wait3A_286 : memref<1x128xi32, #tpu.memory_space<vmem>> -> memref<128xi32, #tpu.memory_space<vmem>>
    %dma_wait3A_288 = arith.constant 0 : i32
    %dma_wait3A_289 = arith.constant 0 : i32
    %dma_wait3A_290 = tpu.memref_slice %arg5[%dma_wait3A_288, %dma_wait3A_289] : memref<1000000x64xf32, #tpu.memory_space<hbm>> -> memref<1000000x64xf32, #tpu.memory_space<hbm>>
    tpu.wait_indirect_dma semaphore(%arg16 : memref<!tpu.dma_semaphore, #tpu.memory_space<semaphore_mem>>) src(%dma_wait3A_290 : memref<1000000x64xf32, #tpu.memory_space<hbm>>) dst(%dma_wait3A_284 : memref<128x64xf32, #tpu.memory_space<vmem>>)
    %dma_wait3A_291 = arith.constant 0 : i32
    %dma_wait3A_292 = arith.constant 0 : i32
    %dma_wait3A_293 = arith.constant 0 : i32
    %dma_wait3A_294 = tpu.memref_slice %arg13[%dma_wait3A_292, %dma_wait3A_293] : memref<256x64xf32, #tpu.memory_space<vmem>> -> memref<128x64xf32, #tpu.memory_space<vmem>>
    %dma_wait3A_295 = arith.constant 0 : i32
    %dma_wait3A_296 = tpu.memref_slice %arg10[%dma_wait3A_291, %dma_wait3A_295] : memref<2x128xi32, #tpu.memory_space<vmem>> -> memref<1x128xi32, #tpu.memory_space<vmem>>
    %dma_wait3A_297 = tpu.memref_squeeze %dma_wait3A_296 : memref<1x128xi32, #tpu.memory_space<vmem>> -> memref<128xi32, #tpu.memory_space<vmem>>
    %dma_wait3A_298 = arith.constant 0 : i32
    %dma_wait3A_299 = arith.constant 0 : i32
    %dma_wait3A_300 = tpu.memref_slice %arg5[%dma_wait3A_298, %dma_wait3A_299] : memref<1000000x64xf32, #tpu.memory_space<hbm>> -> memref<1000000x64xf32, #tpu.memory_space<hbm>>
    tpu.wait_indirect_dma semaphore(%arg16 : memref<!tpu.dma_semaphore, #tpu.memory_space<semaphore_mem>>) src(%dma_wait3A_300 : memref<1000000x64xf32, #tpu.memory_space<hbm>>) dst(%dma_wait3A_294 : memref<128x64xf32, #tpu.memory_space<vmem>>)
    %dma_wait3A_301 = arith.constant 0 : i32
    %dma_wait3A_302 = arith.constant 0 : i32
    %dma_wait3A_303 = arith.constant 0 : i32
    %dma_wait3A_304 = tpu.memref_slice %arg14[%dma_wait3A_302, %dma_wait3A_303] : memref<256x64xf32, #tpu.memory_space<vmem>> -> memref<128x64xf32, #tpu.memory_space<vmem>>
    %dma_wait3A_305 = arith.constant 0 : i32
    %dma_wait3A_306 = tpu.memref_slice %arg11[%dma_wait3A_301, %dma_wait3A_305] : memref<2x128xi32, #tpu.memory_space<vmem>> -> memref<1x128xi32, #tpu.memory_space<vmem>>
    %dma_wait3A_307 = tpu.memref_squeeze %dma_wait3A_306 : memref<1x128xi32, #tpu.memory_space<vmem>> -> memref<128xi32, #tpu.memory_space<vmem>>
    %dma_wait3A_308 = arith.constant 0 : i32
    %dma_wait3A_309 = arith.constant 0 : i32
    %dma_wait3A_310 = tpu.memref_slice %arg6[%dma_wait3A_308, %dma_wait3A_309] : memref<1000x64xf32, #tpu.memory_space<hbm>> -> memref<1000x64xf32, #tpu.memory_space<hbm>>
    tpu.wait_indirect_dma semaphore(%arg16 : memref<!tpu.dma_semaphore, #tpu.memory_space<semaphore_mem>>) src(%dma_wait3A_310 : memref<1000x64xf32, #tpu.memory_space<hbm>>) dst(%dma_wait3A_304 : memref<128x64xf32, #tpu.memory_space<vmem>>)
    %dma_wait3A_311 = arith.constant 0 : i32
    %dma_wait3A_312 = arith.constant 0 : i32
    %dma_wait3A_313 = arith.constant 0 : i32
    %dma_wait3A_314 = tpu.memref_slice %arg15[%dma_wait3A_312, %dma_wait3A_313] : memref<256x64xf32, #tpu.memory_space<vmem>> -> memref<128x64xf32, #tpu.memory_space<vmem>>
    %dma_wait3A_315 = arith.constant 0 : i32
    %dma_wait3A_316 = tpu.memref_slice %arg11[%dma_wait3A_311, %dma_wait3A_315] : memref<2x128xi32, #tpu.memory_space<vmem>> -> memref<1x128xi32, #tpu.memory_space<vmem>>
    %dma_wait3A_317 = tpu.memref_squeeze %dma_wait3A_316 : memref<1x128xi32, #tpu.memory_space<vmem>> -> memref<128xi32, #tpu.memory_space<vmem>>
    %dma_wait3A_318 = arith.constant 0 : i32
    %dma_wait3A_319 = arith.constant 0 : i32
    %dma_wait3A_320 = tpu.memref_slice %arg7[%dma_wait3A_318, %dma_wait3A_319] : memref<1000x64xf32, #tpu.memory_space<hbm>> -> memref<1000x64xf32, #tpu.memory_space<hbm>>
    tpu.wait_indirect_dma semaphore(%arg16 : memref<!tpu.dma_semaphore, #tpu.memory_space<semaphore_mem>>) src(%dma_wait3A_320 : memref<1000x64xf32, #tpu.memory_space<hbm>>) dst(%dma_wait3A_314 : memref<128x64xf32, #tpu.memory_space<vmem>>)
    %dma_wait3A_321 = arith.constant 1 : i32
    %dma_wait3A_322 = arith.constant 128 : i32
    %dma_wait3A_323 = arith.constant 0 : i32
    %dma_wait3A_324 = tpu.memref_slice %arg12[%dma_wait3A_322, %dma_wait3A_323] : memref<256x64xf32, #tpu.memory_space<vmem>> -> memref<128x64xf32, #tpu.memory_space<vmem>>
    %dma_wait3A_325 = arith.constant 0 : i32
    %dma_wait3A_326 = tpu.memref_slice %arg9[%dma_wait3A_321, %dma_wait3A_325] : memref<2x128xi32, #tpu.memory_space<vmem>> -> memref<1x128xi32, #tpu.memory_space<vmem>>
    %dma_wait3A_327 = tpu.memref_squeeze %dma_wait3A_326 : memref<1x128xi32, #tpu.memory_space<vmem>> -> memref<128xi32, #tpu.memory_space<vmem>>
    %dma_wait3A_328 = arith.constant 0 : i32
    %dma_wait3A_329 = arith.constant 0 : i32
    %dma_wait3A_330 = tpu.memref_slice %arg5[%dma_wait3A_328, %dma_wait3A_329] : memref<1000000x64xf32, #tpu.memory_space<hbm>> -> memref<1000000x64xf32, #tpu.memory_space<hbm>>
    tpu.wait_indirect_dma semaphore(%arg16 : memref<!tpu.dma_semaphore, #tpu.memory_space<semaphore_mem>>) src(%dma_wait3A_330 : memref<1000000x64xf32, #tpu.memory_space<hbm>>) dst(%dma_wait3A_324 : memref<128x64xf32, #tpu.memory_space<vmem>>)
    %dma_wait3A_331 = arith.constant 1 : i32
    %dma_wait3A_332 = arith.constant 128 : i32
    %dma_wait3A_333 = arith.constant 0 : i32
    %dma_wait3A_334 = tpu.memref_slice %arg13[%dma_wait3A_332, %dma_wait3A_333] : memref<256x64xf32, #tpu.memory_space<vmem>> -> memref<128x64xf32, #tpu.memory_space<vmem>>
    %dma_wait3A_335 = arith.constant 0 : i32
    %dma_wait3A_336 = tpu.memref_slice %arg10[%dma_wait3A_331, %dma_wait3A_335] : memref<2x128xi32, #tpu.memory_space<vmem>> -> memref<1x128xi32, #tpu.memory_space<vmem>>
    %dma_wait3A_337 = tpu.memref_squeeze %dma_wait3A_336 : memref<1x128xi32, #tpu.memory_space<vmem>> -> memref<128xi32, #tpu.memory_space<vmem>>
    %dma_wait3A_338 = arith.constant 0 : i32
    %dma_wait3A_339 = arith.constant 0 : i32
    %dma_wait3A_340 = tpu.memref_slice %arg5[%dma_wait3A_338, %dma_wait3A_339] : memref<1000000x64xf32, #tpu.memory_space<hbm>> -> memref<1000000x64xf32, #tpu.memory_space<hbm>>
    tpu.wait_indirect_dma semaphore(%arg16 : memref<!tpu.dma_semaphore, #tpu.memory_space<semaphore_mem>>) src(%dma_wait3A_340 : memref<1000000x64xf32, #tpu.memory_space<hbm>>) dst(%dma_wait3A_334 : memref<128x64xf32, #tpu.memory_space<vmem>>)
    %dma_wait3A_341 = arith.constant 1 : i32
    %dma_wait3A_342 = arith.constant 128 : i32
    %dma_wait3A_343 = arith.constant 0 : i32
    %dma_wait3A_344 = tpu.memref_slice %arg14[%dma_wait3A_342, %dma_wait3A_343] : memref<256x64xf32, #tpu.memory_space<vmem>> -> memref<128x64xf32, #tpu.memory_space<vmem>>
    %dma_wait3A_345 = arith.constant 0 : i32
    %dma_wait3A_346 = tpu.memref_slice %arg11[%dma_wait3A_341, %dma_wait3A_345] : memref<2x128xi32, #tpu.memory_space<vmem>> -> memref<1x128xi32, #tpu.memory_space<vmem>>
    %dma_wait3A_347 = tpu.memref_squeeze %dma_wait3A_346 : memref<1x128xi32, #tpu.memory_space<vmem>> -> memref<128xi32, #tpu.memory_space<vmem>>
    %dma_wait3A_348 = arith.constant 0 : i32
    %dma_wait3A_349 = arith.constant 0 : i32
    %dma_wait3A_350 = tpu.memref_slice %arg6[%dma_wait3A_348, %dma_wait3A_349] : memref<1000x64xf32, #tpu.memory_space<hbm>> -> memref<1000x64xf32, #tpu.memory_space<hbm>>
    tpu.wait_indirect_dma semaphore(%arg16 : memref<!tpu.dma_semaphore, #tpu.memory_space<semaphore_mem>>) src(%dma_wait3A_350 : memref<1000x64xf32, #tpu.memory_space<hbm>>) dst(%dma_wait3A_344 : memref<128x64xf32, #tpu.memory_space<vmem>>)
    %dma_wait3A_351 = arith.constant 1 : i32
    %dma_wait3A_352 = arith.constant 128 : i32
    %dma_wait3A_353 = arith.constant 0 : i32
    %dma_wait3A_354 = tpu.memref_slice %arg15[%dma_wait3A_352, %dma_wait3A_353] : memref<256x64xf32, #tpu.memory_space<vmem>> -> memref<128x64xf32, #tpu.memory_space<vmem>>
    %dma_wait3A_355 = arith.constant 0 : i32
    %dma_wait3A_356 = tpu.memref_slice %arg11[%dma_wait3A_351, %dma_wait3A_355] : memref<2x128xi32, #tpu.memory_space<vmem>> -> memref<1x128xi32, #tpu.memory_space<vmem>>
    %dma_wait3A_357 = tpu.memref_squeeze %dma_wait3A_356 : memref<1x128xi32, #tpu.memory_space<vmem>> -> memref<128xi32, #tpu.memory_space<vmem>>
    %dma_wait3A_358 = arith.constant 0 : i32
    %dma_wait3A_359 = arith.constant 0 : i32
    %dma_wait3A_360 = tpu.memref_slice %arg7[%dma_wait3A_358, %dma_wait3A_359] : memref<1000x64xf32, #tpu.memory_space<hbm>> -> memref<1000x64xf32, #tpu.memory_space<hbm>>
    tpu.wait_indirect_dma semaphore(%arg16 : memref<!tpu.dma_semaphore, #tpu.memory_space<semaphore_mem>>) src(%dma_wait3A_360 : memref<1000x64xf32, #tpu.memory_space<hbm>>) dst(%dma_wait3A_354 : memref<128x64xf32, #tpu.memory_space<vmem>>)
    %scan3A_361 = arith.constant 0 : i32
    %scan3A_362 = arith.constant 0 : i32
    %scan3A_363 = arith.constant 256 : i32
    %scan3A_364 = arith.addi %scan3A_362, %scan3A_363 : i32
    %scan3A_365 = arith.constant 1 : i32
    %scan3A_366 = scf.for %scan3A_368 = %scan3A_362 to %scan3A_364 step %scan3A_365 iter_args(%scan3A_369 = %scan3A_361) -> (i32)  : i32 {
      %get3A = arith.index_cast %scan3A_368 : i32 to index
      %get3A_370 = arith.constant 0 : index
      %get3A_371 = tpu.vector_load %arg12[%get3A, %get3A_370] {strides = array<i32>} : memref<256x64xf32, #tpu.memory_space<vmem>>, vector<1x16xf32>,
      %get3A_372 = vector.shape_cast %get3A_371 : vector<1x16xf32> to vector<16xf32>
      %get3A_373 = arith.index_cast %scan3A_368 : i32 to index
      %get3A_374 = arith.constant 0 : index
      %get3A_375 = tpu.vector_load %arg13[%get3A_373, %get3A_374] {strides = array<i32>} : memref<256x64xf32, #tpu.memory_space<vmem>>, vector<1x16xf32>,
      %get3A_376 = vector.shape_cast %get3A_375 : vector<1x16xf32> to vector<16xf32>
      %sub3A = arith.subf %get3A_372, %get3A_376 : vector<16xf32>
      %get3A_377 = arith.index_cast %scan3A_368 : i32 to index
      %get3A_378 = arith.constant 0 : index
      %get3A_379 = tpu.vector_load %arg15[%get3A_377, %get3A_378] {strides = array<i32>} : memref<256x64xf32, #tpu.memory_space<vmem>>, vector<1x16xf32>,
      %get3A_380 = vector.shape_cast %get3A_379 : vector<1x16xf32> to vector<16xf32>
      %get3A_381 = arith.index_cast %scan3A_368 : i32 to index
      %get3A_382 = arith.constant 16 : index
      %get3A_383 = tpu.vector_load %arg12[%get3A_381, %get3A_382] {strides = array<i32>} : memref<256x64xf32, #tpu.memory_space<vmem>>, vector<1x16xf32>,
      %get3A_384 = vector.shape_cast %get3A_383 : vector<1x16xf32> to vector<16xf32>
      %get3A_385 = arith.index_cast %scan3A_368 : i32 to index
      %get3A_386 = arith.constant 16 : index
      %get3A_387 = tpu.vector_load %arg13[%get3A_385, %get3A_386] {strides = array<i32>} : memref<256x64xf32, #tpu.memory_space<vmem>>, vector<1x16xf32>,
      %get3A_388 = vector.shape_cast %get3A_387 : vector<1x16xf32> to vector<16xf32>
      %sub3A_389 = arith.subf %get3A_384, %get3A_388 : vector<16xf32>
      %get3A_390 = arith.index_cast %scan3A_368 : i32 to index
      %get3A_391 = arith.constant 16 : index
      %get3A_392 = tpu.vector_load %arg15[%get3A_390, %get3A_391] {strides = array<i32>} : memref<256x64xf32, #tpu.memory_space<vmem>>, vector<1x16xf32>,
      %get3A_393 = vector.shape_cast %get3A_392 : vector<1x16xf32> to vector<16xf32>
      %get3A_394 = arith.index_cast %scan3A_368 : i32 to index
      %get3A_395 = arith.constant 32 : index
      %get3A_396 = tpu.vector_load %arg12[%get3A_394, %get3A_395] {strides = array<i32>} : memref<256x64xf32, #tpu.memory_space<vmem>>, vector<1x16xf32>,
      %get3A_397 = vector.shape_cast %get3A_396 : vector<1x16xf32> to vector<16xf32>
      %get3A_398 = arith.index_cast %scan3A_368 : i32 to index
      %get3A_399 = arith.constant 32 : index
      %get3A_400 = tpu.vector_load %arg13[%get3A_398, %get3A_399] {strides = array<i32>} : memref<256x64xf32, #tpu.memory_space<vmem>>, vector<1x16xf32>,
      %get3A_401 = vector.shape_cast %get3A_400 : vector<1x16xf32> to vector<16xf32>
      %sub3A_402 = arith.subf %get3A_397, %get3A_401 : vector<16xf32>
      %get3A_403 = arith.index_cast %scan3A_368 : i32 to index
      %get3A_404 = arith.constant 32 : index
      %get3A_405 = tpu.vector_load %arg15[%get3A_403, %get3A_404] {strides = array<i32>} : memref<256x64xf32, #tpu.memory_space<vmem>>, vector<1x16xf32>,
      %get3A_406 = vector.shape_cast %get3A_405 : vector<1x16xf32> to vector<16xf32>
      %get3A_407 = arith.index_cast %scan3A_368 : i32 to index
      %get3A_408 = arith.constant 48 : index
      %get3A_409 = tpu.vector_load %arg12[%get3A_407, %get3A_408] {strides = array<i32>} : memref<256x64xf32, #tpu.memory_space<vmem>>, vector<1x16xf32>,
      %get3A_410 = vector.shape_cast %get3A_409 : vector<1x16xf32> to vector<16xf32>
      %get3A_411 = arith.index_cast %scan3A_368 : i32 to index
      %get3A_412 = arith.constant 48 : index
      %get3A_413 = tpu.vector_load %arg13[%get3A_411, %get3A_412] {strides = array<i32>} : memref<256x64xf32, #tpu.memory_space<vmem>>, vector<1x16xf32>,
      %get3A_414 = vector.shape_cast %get3A_413 : vector<1x16xf32> to vector<16xf32>
      %sub3A_415 = arith.subf %get3A_410, %get3A_414 : vector<16xf32>
      %get3A_416 = arith.index_cast %scan3A_368 : i32 to index
      %get3A_417 = arith.constant 48 : index
      %get3A_418 = tpu.vector_load %arg15[%get3A_416, %get3A_417] {strides = array<i32>} : memref<256x64xf32, #tpu.memory_space<vmem>>, vector<1x16xf32>,
      %get3A_419 = vector.shape_cast %get3A_418 : vector<1x16xf32> to vector<16xf32>
      %mul3A_420 = arith.mulf %sub3A, %get3A_380 : vector<16xf32>
      %mul3A_421 = arith.mulf %sub3A_389, %get3A_393 : vector<16xf32>
      %add3A_422 = arith.addf %mul3A_420, %mul3A_421 : vector<16xf32>
      %mul3A_423 = arith.mulf %sub3A_402, %get3A_406 : vector<16xf32>
      %add3A_424 = arith.addf %add3A_422, %mul3A_423 : vector<16xf32>
      %mul3A_425 = arith.mulf %sub3A_415, %get3A_419 : vector<16xf32>
      %add3A_426 = arith.addf %add3A_424, %mul3A_425 : vector<16xf32>
      %lt3A = arith.constant 0 : i32
      %lt3A_427 = vector.broadcast %lt3A : i32 to vector<16xi32>
      %lt3A_428 = arith.cmpi slt, %xor3A_4, %lt3A_427 : vector<16xi32>
      %add3A_429 = arith.constant 16 : i32
      %add3A_430 = vector.broadcast %add3A_429 : i32 to vector<16xi32>
      %add3A_431 = arith.addi %xor3A_4, %add3A_430 : vector<16xi32>
      %select_n3A = arith.select %lt3A_428, %add3A_431, %xor3A_4 : vector<16xi1>, vector<16xi32>
      %broadcast_in_dim3A = vector.shape_cast %select_n3A : vector<16xi32> to vector<16x1xi32>
      %gather3A = vector.shape_cast %broadcast_in_dim3A : vector<16x1xi32> to vector<16xi32>
      %gather3A_432 = tpu.dynamic_gather %add3A_426[%gather3A] in [0] : vector<16xf32>, vector<16xi32> -> vector<16xf32>
      %add3A_433 = arith.addf %add3A_426, %gather3A_432 : vector<16xf32>
      %lt3A_434 = arith.constant 0 : i32
      %lt3A_435 = vector.broadcast %lt3A_434 : i32 to vector<16xi32>
      %lt3A_436 = arith.cmpi slt, %xor3A_7, %lt3A_435 : vector<16xi32>
      %add3A_437 = arith.constant 16 : i32
      %add3A_438 = vector.broadcast %add3A_437 : i32 to vector<16xi32>
      %add3A_439 = arith.addi %xor3A_7, %add3A_438 : vector<16xi32>
      %select_n3A_440 = arith.select %lt3A_436, %add3A_439, %xor3A_7 : vector<16xi1>, vector<16xi32>
      %broadcast_in_dim3A_441 = vector.shape_cast %select_n3A_440 : vector<16xi32> to vector<16x1xi32>
      %gather3A_442 = vector.shape_cast %broadcast_in_dim3A_441 : vector<16x1xi32> to vector<16xi32>
      %gather3A_443 = tpu.dynamic_gather %add3A_433[%gather3A_442] in [0] : vector<16xf32>, vector<16xi32> -> vector<16xf32>
      %add3A_444 = arith.addf %add3A_433, %gather3A_443 : vector<16xf32>
      %lt3A_445 = arith.constant 0 : i32
      %lt3A_446 = vector.broadcast %lt3A_445 : i32 to vector<16xi32>
      %lt3A_447 = arith.cmpi slt, %xor3A_10, %lt3A_446 : vector<16xi32>
      %add3A_448 = arith.constant 16 : i32
      %add3A_449 = vector.broadcast %add3A_448 : i32 to vector<16xi32>
      %add3A_450 = arith.addi %xor3A_10, %add3A_449 : vector<16xi32>
      %select_n3A_451 = arith.select %lt3A_447, %add3A_450, %xor3A_10 : vector<16xi1>, vector<16xi32>
      %broadcast_in_dim3A_452 = vector.shape_cast %select_n3A_451 : vector<16xi32> to vector<16x1xi32>
      %gather3A_453 = vector.shape_cast %broadcast_in_dim3A_452 : vector<16x1xi32> to vector<16xi32>
      %gather3A_454 = tpu.dynamic_gather %add3A_444[%gather3A_453] in [0] : vector<16xf32>, vector<16xi32> -> vector<16xf32>
      %add3A_455 = arith.addf %add3A_444, %gather3A_454 : vector<16xf32>
      %lt3A_456 = arith.constant 0 : i32
      %lt3A_457 = vector.broadcast %lt3A_456 : i32 to vector<16xi32>
      %lt3A_458 = arith.cmpi slt, %xor3A_13, %lt3A_457 : vector<16xi32>
      %add3A_459 = arith.constant 16 : i32
      %add3A_460 = vector.broadcast %add3A_459 : i32 to vector<16xi32>
      %add3A_461 = arith.addi %xor3A_13, %add3A_460 : vector<16xi32>
      %select_n3A_462 = arith.select %lt3A_458, %add3A_461, %xor3A_13 : vector<16xi1>, vector<16xi32>
      %broadcast_in_dim3A_463 = vector.shape_cast %select_n3A_462 : vector<16xi32> to vector<16x1xi32>
      %gather3A_464 = vector.shape_cast %broadcast_in_dim3A_463 : vector<16x1xi32> to vector<16xi32>
      %gather3A_465 = tpu.dynamic_gather %add3A_455[%gather3A_464] in [0] : vector<16xf32>, vector<16xi32> -> vector<16xf32>
      %add3A_466 = arith.addf %add3A_455, %gather3A_465 : vector<16xf32>
      %get3A_467 = arith.index_cast %scan3A_368 : i32 to index
      %get3A_468 = arith.constant 0 : index
      %get3A_469 = tpu.vector_load %arg14[%get3A_467, %get3A_468] {strides = array<i32>} : memref<256x64xf32, #tpu.memory_space<vmem>>, vector<1x16xf32>,
      %get3A_470 = vector.shape_cast %get3A_469 : vector<1x16xf32> to vector<16xf32>
      %add3A_471 = arith.addf %sub3A, %get3A_470 : vector<16xf32>
      %mul3A_472 = arith.mulf %get3A_380, %add3A_466 : vector<16xf32>
      %sub3A_473 = arith.subf %add3A_471, %mul3A_472 : vector<16xf32>
      %swap3A = arith.index_cast %scan3A_368 : i32 to index
      %swap3A_474 = arith.constant 0 : index
      %swap3A_475 = tpu.vector_load %arg12[%swap3A, %swap3A_474] {strides = array<i32>} : memref<256x64xf32, #tpu.memory_space<vmem>>, vector<1x16xf32>,
      %swap3A_476 = vector.shape_cast %swap3A_475 : vector<1x16xf32> to vector<16xf32>
      %swap3A_477 = vector.shape_cast %sub3A_473 : vector<16xf32> to vector<1x16xf32>
      tpu.vector_store %arg12[%swap3A, %swap3A_474], %swap3A_477 {strides = array<i32>} : memref<256x64xf32, #tpu.memory_space<vmem>>, vector<1x16xf32>,
      %get3A_478 = arith.index_cast %scan3A_368 : i32 to index
      %get3A_479 = arith.constant 16 : index
      %get3A_480 = tpu.vector_load %arg14[%get3A_478, %get3A_479] {strides = array<i32>} : memref<256x64xf32, #tpu.memory_space<vmem>>, vector<1x16xf32>,
      %get3A_481 = vector.shape_cast %get3A_480 : vector<1x16xf32> to vector<16xf32>
      %add3A_482 = arith.addf %sub3A_389, %get3A_481 : vector<16xf32>
      %mul3A_483 = arith.mulf %get3A_393, %add3A_466 : vector<16xf32>
      %sub3A_484 = arith.subf %add3A_482, %mul3A_483 : vector<16xf32>
      %swap3A_485 = arith.index_cast %scan3A_368 : i32 to index
      %swap3A_486 = arith.constant 16 : index
      %swap3A_487 = tpu.vector_load %arg12[%swap3A_485, %swap3A_486] {strides = array<i32>} : memref<256x64xf32, #tpu.memory_space<vmem>>, vector<1x16xf32>,
      %swap3A_488 = vector.shape_cast %swap3A_487 : vector<1x16xf32> to vector<16xf32>
      %swap3A_489 = vector.shape_cast %sub3A_484 : vector<16xf32> to vector<1x16xf32>
      tpu.vector_store %arg12[%swap3A_485, %swap3A_486], %swap3A_489 {strides = array<i32>} : memref<256x64xf32, #tpu.memory_space<vmem>>, vector<1x16xf32>,
      %get3A_490 = arith.index_cast %scan3A_368 : i32 to index
      %get3A_491 = arith.constant 32 : index
      %get3A_492 = tpu.vector_load %arg14[%get3A_490, %get3A_491] {strides = array<i32>} : memref<256x64xf32, #tpu.memory_space<vmem>>, vector<1x16xf32>,
      %get3A_493 = vector.shape_cast %get3A_492 : vector<1x16xf32> to vector<16xf32>
      %add3A_494 = arith.addf %sub3A_402, %get3A_493 : vector<16xf32>
      %mul3A_495 = arith.mulf %get3A_406, %add3A_466 : vector<16xf32>
      %sub3A_496 = arith.subf %add3A_494, %mul3A_495 : vector<16xf32>
      %swap3A_497 = arith.index_cast %scan3A_368 : i32 to index
      %swap3A_498 = arith.constant 32 : index
      %swap3A_499 = tpu.vector_load %arg12[%swap3A_497, %swap3A_498] {strides = array<i32>} : memref<256x64xf32, #tpu.memory_space<vmem>>, vector<1x16xf32>,
      %swap3A_500 = vector.shape_cast %swap3A_499 : vector<1x16xf32> to vector<16xf32>
      %swap3A_501 = vector.shape_cast %sub3A_496 : vector<16xf32> to vector<1x16xf32>
      tpu.vector_store %arg12[%swap3A_497, %swap3A_498], %swap3A_501 {strides = array<i32>} : memref<256x64xf32, #tpu.memory_space<vmem>>, vector<1x16xf32>,
      %get3A_502 = arith.index_cast %scan3A_368 : i32 to index
      %get3A_503 = arith.constant 48 : index
      %get3A_504 = tpu.vector_load %arg14[%get3A_502, %get3A_503] {strides = array<i32>} : memref<256x64xf32, #tpu.memory_space<vmem>>, vector<1x16xf32>,
      %get3A_505 = vector.shape_cast %get3A_504 : vector<1x16xf32> to vector<16xf32>
      %add3A_506 = arith.addf %sub3A_415, %get3A_505 : vector<16xf32>
      %mul3A_507 = arith.mulf %get3A_419, %add3A_466 : vector<16xf32>
      %sub3A_508 = arith.subf %add3A_506, %mul3A_507 : vector<16xf32>
      %swap3A_509 = arith.index_cast %scan3A_368 : i32 to index
      %swap3A_510 = arith.constant 48 : index
      %swap3A_511 = tpu.vector_load %arg12[%swap3A_509, %swap3A_510] {strides = array<i32>} : memref<256x64xf32, #tpu.memory_space<vmem>>, vector<1x16xf32>,
      %swap3A_512 = vector.shape_cast %swap3A_511 : vector<1x16xf32> to vector<16xf32>
      %swap3A_513 = vector.shape_cast %sub3A_508 : vector<16xf32> to vector<1x16xf32>
      tpu.vector_store %arg12[%swap3A_509, %swap3A_510], %swap3A_513 {strides = array<i32>} : memref<256x64xf32, #tpu.memory_space<vmem>>, vector<1x16xf32>,
      %scan3A_514 = arith.constant 0 : i32
      scf.yield %scan3A_514 : i32
    }
    %scan3A_367 = arith.constant 256 : i32
    "tpu.region"() ({
      %run_scoped3A_368 = tpu.sem_alloc : memref<!tpu.dma_semaphore, #tpu.memory_space<semaphore_mem>>
      %dma_start3A_369 = arith.constant 0 : i32
      %dma_start3A_370 = tpu.memref_slice %arg8[%add3A_190, %dma_start3A_369] : memref<16384x64xf32, #tpu.memory_space<hbm>> -> memref<256x64xf32, #tpu.memory_space<hbm>>
      %dma_start3A_371 = arith.constant 0 : i32
      %dma_start3A_372 = tpu.memref_slice %arg8[%add3A_190, %dma_start3A_371] : memref<16384x64xf32, #tpu.memory_space<hbm>> -> memref<256x64xf32, #tpu.memory_space<hbm>>
      tpu.enqueue_dma source(%arg12 : memref<256x64xf32, #tpu.memory_space<vmem>>) target(%dma_start3A_372 : memref<256x64xf32, #tpu.memory_space<hbm>>) target_semaphore(%run_scoped3A_368 : memref<!tpu.dma_semaphore, #tpu.memory_space<semaphore_mem>>)
      %dma_wait3A_373 = arith.constant 0 : i32
      %dma_wait3A_374 = tpu.memref_slice %arg8[%add3A_190, %dma_wait3A_373] : memref<16384x64xf32, #tpu.memory_space<hbm>> -> memref<256x64xf32, #tpu.memory_space<hbm>>
      %dma_wait3A_375 = arith.constant 0 : i32
      %dma_wait3A_376 = tpu.memref_slice %arg8[%add3A_190, %dma_wait3A_375] : memref<16384x64xf32, #tpu.memory_space<hbm>> -> memref<256x64xf32, #tpu.memory_space<hbm>>
      tpu.wait_dma2 semaphore(%run_scoped3A_368 : memref<!tpu.dma_semaphore, #tpu.memory_space<semaphore_mem>>) src(%arg12 : memref<256x64xf32, #tpu.memory_space<vmem>>) dst(%dma_wait3A_376 : memref<256x64xf32, #tpu.memory_space<hbm>>)
      tpu.yield
    }) : () -> ()
    return
  }
}

</mosaic_0001>

<sc_bundles>
// kernel: kernel.3.cloned.1.call-start
scs
__scs_entry_jumppad:
0x0: {  	(pc) =	sbr.rel $0x88, $3  }
0x1: {  	(tag) =	ssettag $0x0;
	lr =	simm.s32 $0x1  }
0x2: {  	[smem:$0x3F9B] =	sst lr;
	_ =	strace $0xD0000000  }
0x3: {  	_ = 	snop  }
0x4: {  	_ = 	snop  }
0x5: {  	_ = 	snop  }
0x6: {  	_ = 	snop  }
0x7: {  	_ = 	snop  }
__scs_overlays_trampoline_lowered:
0x8: {  	[smem:$0x3FAA] =	sst s0  }
0x9: {  	[smem:$0x3FAB] =	sst s1  }
0xa: {  	[smem:$0x3FAC] =	sst s2  }
0xb: {  	[smem:$0x3FAD] =	sst s3  }
0xc: {  	[smem:$0x3FAE] =	sst s4  }
0xd: {  	[smem:$0x3FAF] =	sst s5  }
0xe: {  	[smem:$0x3FB0] =	sst s6  }
0xf: {  	[smem:$0x3FB1] =	sst s7  }
0x10: {  	[smem:$0x3FB2] =	sst s8  }
0x11: {  	[smem:$0x3FB3] =	sst s9;
	s0 =	simm.s32 @!p0 $0x0  }
0x12: {  	s1 =	sld [smem:$0x3F99];
	s0 =	simm.s32 @p0 $0x1  }
0x13: {  	[smem:$0x3FB4] =	sst s0;
	s0 =	simm.s32 @!p1 $0x0  }
0x14: {  	s2 =	sld [smem:$0x3F98];
	s0 =	simm.s32 @p1 $0x1  }
0x15: {  	[smem:$0x3FB5] =	sst s0;
	s0 =	simm.s32 @!p2 $0x0  }
0x16: {  	s3 =	sld [smem:$0x3FDB];
	s0 =	simm.s32 @p2 $0x1  }
0x17: {  	s4 =	simm.s32 $0x1BF5;
	[smem:$0x3FB7] =	sst s0  }
0x18: {  	s0 =	sld [smem:$0x3F9A];
	_ =	swait.ge [sflag:s4], $0x0  }
0x19: {  	s7 =	sld [smem:$0x3F9B]  }
0x1a: {  	s8 =	sadd.s32 $0xFFFFE003, lr  }
0x1b: {  	s9 =	sadd.s32 $0xFFFFFEF7, lr;
	s5 =	simm.s32 $0xFFFFFFFF;
	p2 =	slt.u32 s8, $0xFFFFF086  }
0x1c: {  	p1 =	slt.u32 s9, $0xF7A;
	s5 =	simm.s32 @!p2 $0x0  }
0x1d: {  	s5 =	simm.s32 @p1 $0x1;
	p0 =	seq.s32 s7, s2  }
0x1e: {  	s7 =	smul.u32 @!p0 $0xF7A, s2;
	p2 =	seq.s32 @!p0 s5, $0x0  }
0x1f: {  	s9 =	smul.u32 $0xF7A, s1;
	s8 =	simm.s32 @!p0 $0x1BF5;
	p2 =	por !p2, p0  }
0x20: {  	[sflag:s8] =	ssyncset.s32 @!p0 $0xFFFFF086;
	s6 =	sadd.s32 @!p0 s3, s7;
	s7 =	simm.s32 @!p0 $0x108  }
0x21: {  	s3 =	sadd.s32 s3, s9;
	s6 =	sadd.s32 @!p0 $0x88, s6;
	s7 =	simm.s32 @p2 $0x1082  }
0x22: {  	[simem:s7], [sflag:s8] =	dma.local @!p0 [hbm:s6], $0xF7A  }
0x23: {  	s9 =	sor.u32 $0xD0000000, s2;
	s6 =	simm.s32 $0x108;
	_ =	swait.ge @!p0 [sflag:s8], $0x0  }
0x24: {  	s3 =	sadd.s32 $0x88, s3;
	s6 =	simm.s32 @!p1 $0x1082;
	[sflag:s4] =	ssyncset.s32 $0xFFFFF086  }
0x25: {  	[simem:s6], [sflag:s4] =	dma.local [hbm:s3], $0xF7A  }
0x26: {  	[smem:$0x3F9B] =	sst s1;
	(tag) =	ssettag s2;
	_ =	strace s9  }
0x27: {  	s1 =	sld [smem:$0x3FAB]  }
0x28: {  	s2 =	sld [smem:$0x3FAC]  }
0x29: {  	s4 =	sld [smem:$0x3FAE]  }
0x2a: {  	p0 =	seq.s32 s5, $0x0;
	s5 =	sld [smem:$0x3FAF]  }
0x2b: {  	s6 =	sld [smem:$0x3FB0]  }
0x2c: {  	s7 =	sld [smem:$0x3FB1]  }
0x2d: {  	s3 =	simm.s32 $0x108;
	s8 =	sld [smem:$0x3FB2]  }
0x2e: {  	s3 =	simm.s32 @!p0 $0x1082;
	s9 =	sld [smem:$0x3FB3]  }
0x2f: {  	lr =	sadd.s32 s0, s3;
	s0 =	sld [smem:$0x3FAA]  }
0x30: {  	s3 =	sld [smem:$0x3FAD]  }
0x31: {  	[smem:$0x3FB6] =	sst s10  }
0x32: {  	s10 =	sld [smem:$0x3FB4];
	_ =	sdelay $0x3  }
0x33: {  	p0 =	seq.s32 s10, $0x1;
	s10 =	sld [smem:$0x3FB6];
	_ =	sdelay $0x3  }
0x34: {  	[smem:$0x3FB6] =	sst s10  }
0x35: {  	s10 =	sld [smem:$0x3FB5];
	_ =	sdelay $0x3  }
0x36: {  	p1 =	seq.s32 s10, $0x1;
	s10 =	sld [smem:$0x3FB6];
	_ =	sdelay $0x3  }
0x37: {  	[smem:$0x3FB6] =	sst s10  }
0x38: {  	s10 =	sld [smem:$0x3FB7]  }
0x39: {  	_ = 	snop;
	(pc) =	sbr.ind lr, $3  }
0x3a: {  	_ = 	snop  }
0x3b: {  	_ = 	snop  }
0x3c: {  	p2 =	seq.s32 s10, $0x1;
	s10 =	sld [smem:$0x3FB6]  }
0x3d: {  	_ =	shalt  }
0x3e: {  	_ =	shalt  }
0x3f: {  	_ =	shalt  }
0x40: {  	_ =	shalt  }
0x41: {  	_ =	shalt  }
0x42: {  	_ =	shalt  }
0x43: {  	_ =	shalt  }
0x44: {  	_ =	shalt  }
0x45: {  	_ =	shalt  }
0x46: {  	_ =	shalt  }
0x47: {  	_ =	shalt  }
0x48: {  	_ =	shalt  }
0x49: {  	_ =	shalt  }
0x4a: {  	_ =	shalt  }
0x4b: {  	_ =	shalt  }
0x4c: {  	_ =	shalt  }
0x4d: {  	_ =	shalt  }
0x4e: {  	_ =	shalt  }
0x4f: {  	_ =	shalt  }
0x50: {  	_ =	shalt  }
0x51: {  	_ =	shalt  }
0x52: {  	_ =	shalt  }
0x53: {  	_ =	shalt  }
0x54: {  	_ =	shalt  }
0x55: {  	_ =	shalt  }
0x56: {  	_ =	shalt  }
0x57: {  	_ =	shalt  }
0x58: {  	_ =	shalt  }
0x59: {  	_ =	shalt  }
0x5a: {  	_ =	shalt  }
0x5b: {  	_ =	shalt  }
0x5c: {  	_ =	shalt  }
0x5d: {  	_ =	shalt  }
0x5e: {  	_ =	shalt  }
0x5f: {  	_ =	shalt  }
0x60: {  	_ =	shalt  }
0x61: {  	_ =	shalt  }
0x62: {  	_ =	shalt  }
0x63: {  	_ =	shalt  }
0x64: {  	_ =	shalt  }
0x65: {  	_ =	shalt  }
0x66: {  	_ =	shalt  }
0x67: {  	_ =	shalt  }
0x68: {  	_ =	shalt  }
0x69: {  	_ =	shalt  }
0x6a: {  	_ =	shalt  }
0x6b: {  	_ =	shalt  }
0x6c: {  	_ =	shalt  }
0x6d: {  	_ =	shalt  }
0x6e: {  	_ =	shalt  }
0x6f: {  	_ =	shalt  }
0x70: {  	_ =	shalt  }
0x71: {  	_ =	shalt  }
0x72: {  	_ =	shalt  }
0x73: {  	_ =	shalt  }
0x74: {  	_ =	shalt  }
0x75: {  	_ =	shalt  }
0x76: {  	_ =	shalt  }
0x77: {  	_ =	shalt  }
0x78: {  	_ =	shalt  }
0x79: {  	_ =	shalt  }
0x7a: {  	_ =	shalt  }
0x7b: {  	_ =	shalt  }
0x7c: {  	_ =	shalt  }
0x7d: {  	_ =	shalt  }
0x7e: {  	_ =	shalt  }
0x7f: {  	_ =	shalt  }
0x80: {  	_ =	shalt  }
0x81: {  	_ =	shalt  }
0x82: {  	_ =	shalt  }
0x83: {  	_ =	shalt  }
0x84: {  	_ =	shalt  }
0x85: {  	_ =	shalt  }
0x86: {  	_ =	shalt  }
0x87: {  	_ =	shalt  }
.Lfunc_end0:
.L_simem_size_0:
called_computation_lowered:
.L_overlay_start_0:
0x88: {  	s2 =	sld [smem:$0x3FD9]  }
0x89: {  	s3 =	sld [smem:$0x3FFE];
	_ =	sdelay $0x1  }
0x8a: {  	s1 =	srdreg.scid  }
0x8b: {  	s0 =	sand.u32 $0x1, s1  }
0x8c: {  	s17 =	sshll.u32 s0, $0xA;
	s2 =	sadd.s32 s3, s2  }
0x8d: {  	s2 =	sadd.s32 s2, s17  }
0x8e: {  	[smem:$0x3FC2] =	sst s2  }
0x8f: {  	_ = 	snop  }
0x90: {  	s2 =	sld [smem:$0x3FC9]  }
0x91: {  	s18 =	sld [smem:$0x3FC8]  }
0x92: {  	s4 =	sld [smem:$0x3FC7]  }
0x93: {  	s5 =	sld [smem:$0x3FD0];
	(tm) =	ssettm $0x1  }
0x94: {  	s6 =	sld [smem:$0x3FFB];
	_ =	sdelay $0x3  }
0x95: {  	_ =	strace s6  }
0x96: {  	s6 =	sld [smem:$0x3FFC];
	_ =	sdelay $0x3  }
0x97: {  	_ =	strace s6  }
0x98: {  	s6 =	sld [smem:$0x3FFD];
	_ =	sdelay $0x3  }
0x99: {  	_ =	strace s6  }
0x9a: {  	_ =	strace $0x8FFFFFFF  }
0x9b: {  	s19 =	sld [smem:$0x3FDB];
	_ =	sdelay $0x1  }
0x9c: {  	s7 =	simm.s32 $_scs_section_size  }
0x9d: {  	s8 =	simm.s32 $_size__tile_overlayer_lowered;
	s9 =	simm.s32 $_tile_overlayer_lowered  }
0x9e: {  	s22 =	simm.s32 $0x1BFF;
	s21 =	sshll.u32 s9, $0x1;
	s6 =	sadd.s32 s7, s19  }
0x9f: {  	s10 =	simm.s32 $0x0;
	s20 =	sshll.u32 s8, $0x1;
	s8 =	sadd.s32 s21, s6  }
0xa0: {  	[timem:s10], [sflag:s22] =	dma.local [hbm:s8], s20  }
0xa1: {  	_ =	swait.ge [sflag:s22], s20  }
0xa2: {  	s7 =	ssub.s32 $0x0, s20;
	[sflag:s22] =	ssyncset.done $0x0  }
0xa3: {  	[sflag:s22] =	ssyncadd.s32 s7;
	_ =	sdelay $0x1  }
0xa4: {  	s23 =	simm.s32 $0x1B8B  }
0xa5: {  	_ =	swait.ge [sflag:s23], $0x1  }
0xa6: {  	[sflag:s23] =	ssyncset.done $0x0  }
0xa7: {  	s25 =	simm.s32 $0x1B8E;
	s24 =	sld [smem:$0x3FFE];
	[sflag:s23] =	ssyncadd.s32 $0xFFFFFFFF  }
0xa8: {  	s26 =	simm.s32 $execute0_lowered;
	[smem:$0x3FD2] =	sst s25  }
0xa9: {  	s8 =	sshll.u32 s26, $0x1;
	_ =	strace $0x80000046;
	[dreg:$0x1] =	wrdreg $0xFFFFFFFF  }
0xaa: {  	s28 =	simm.s32 $_size_execute0_lowered;
	s6 =	sadd.s32 s6, s8;
	[dreg:$0x0] =	wrdreg $0x0  }
0xab: {  	s8 =	sshll.u32 s28, $0x1;
	[dreg:$0x2] =	wrdreg s6  }
0xac: {  	[dreg:$0x3] =	wrdreg s8  }
0xad: {  	[dreg:$0x4] =	wrdreg $0xC0  }
0xae: {  	_ =	task [dreg:s10], $0x5FFFF  }
0xaf: {  	[dreg:$0x1] =	wrdreg $0xFFFFFFFF  }
0xb0: {  	[dreg:$0x0] =	wrdreg $0x60  }
0xb1: {  	[dreg:$0x2] =	wrdreg s2  }
0xb2: {  	[dreg:$0x3] =	wrdreg s18  }
0xb3: {  	[dreg:$0x4] =	wrdreg s4  }
0xb4: {  	[dreg:$0x5] =	wrdreg s24  }
0xb5: {  	[dreg:$0x6] =	wrdreg s5  }
0xb6: {  	[dreg:$0x7] =	wrdreg $0x9  }
0xb7: {  	_ =	task.clear_ibuf [dreg:s10], $0x8FFFF;
	_ =	strace $0x90000046  }
0xb8: {  	s29 =	simm.s32 $0x9;
	_ =	strace $0x80000048  }
0xb9: {  	_ =	swait.ge [sflag:s29], $0x1  }
0xba: {  	[sflag:s29] =	ssyncadd.s32 $0xFFFFFFFF  }
0xbb: {  	_ =	strace $0x90000048  }
0xbc: {  	_ =	sfence  }
0xbd: {  	s30 =	sld [smem:$0x0];
	_ =	sdelay $0x2  }
0xbe: {  	s31 =	sshll.u32 s1, $0xD;
	s1 =	sshrl.u32 s1, $0x2  }
0xbf: {  	s3 =	sand.u32 $0x4000, s31;
	s1 =	sadd.s32 s1, s30  }
0xc0: {  	s0 =	sor.u32 s3, s0;
	s1 =	sshll.u32 s1, $0x11  }
0xc1: {  	s0 =	sor.u32 s1, s0  }
0xc2: {  	s0 =	sadd.s32 $0x8F2B, s0  }
0xc3: {  	[sflag:s0] =	ssyncadd.remote.s32 $0x1  }
0xc4: {  	_ =	sfence.sel $0xFFFF  }
0xc5: {  	[dreg:$0x0] =	wrdreg $0xFFFFFFFF;
	(pc) =	sbr.abs _section_cstart, $3  }
0xc6: {  	[dreg:$0x1] =	wrdreg $0xFFFFFFFF  }
0xc7: {  	_ =	task.clear_ibuf [dreg:s10], $0x2FFFF;
	_ =	strace $0x9FFFFFFF  }
0xc8: {  	(tm) =	ssettm $0x7FFFFFFF  }
0xc9: {  	_ =	shalt  }
tec
execute0_lowered:
.L_overlay_start_1:
0x0: {  	(tag) =	ssettag $0x1  }
0x1: {  	s0 =	rddreg [dreg:$0x0]  }
0x2: {  	s1 =	rddreg [dreg:$0x1]  }
0x3: {  	s6 =	rddreg [dreg:$0x2]  }
0x4: {  	s5 =	rddreg [dreg:$0x3]  }
0x5: {  	s7 =	rddreg [dreg:$0x4]  }
0x6: {  	s2 =	simm.s32 $0x0;
	s3 =	srdreg.scid;
	s8 =	stileid.u32  }
0x7: {  	s28 =	simm.s32 $0x300;
	s29 =	simm.s32 $0x4300;
	s30 =	simm.s32 $0x8300  }
0x8: {  	s31 =	simm.s32 $0xC300;
	[smem:$0x7FF] =	sst s2;
	s4 =	sand.u32 $0x1, s3  }
0x9: {  	s8 =	sshll.u32 s8, $0xA;
	s3 =	sadd.s32 $0xF42C00, s5;
	s9 =	sshll.u32 s4, $0x9  }
0xa: {  	_ =	strace $0x80000047;
	s10 =	ssub.s32 $0x2, s4;
	s8 =	sor.u32 s9, s8  }
0xb: {  	s4 =	sadd.s32 $0x2800, s5;
	s18 =	sshrl.u32 s10, $0x1;
	s11 =	sshrl.u32 s8, $0x3  }
0xc: {  	s5 =	sadd.s32 $0x800, s5;
	s9 =	ssub.s32 s10, s18;
	s19 =	sadd.s32 s0, s11  }
0xd: {  	s20 =	sadd.s32 s6, s11;
	s21 =	sadd.s32 s1, s11;
	[dreg:$0x6] =	wrdreg s19  }
0xe: {  	s22 =	sor.u32 $0x10, s11;
	s25 =	sor.u32 $0x30, s11;
	[dreg:$0x7] =	wrdreg s20  }
0xf: {  	[dreg:$0x8] =	wrdreg s21;
	s12 =	sadd.s32 s0, s22;
	s23 =	sadd.s32 s6, s22  }
0x10: {  	v0 =	vimm.s32 $0xEFCDAB89;
	v1 =	vimm.s32 $0x67452301;
	v2 =	vimm.s32 $0xDCFE98BA;
	s19 =	sor.u32 $0x100, s8;
	s10 =	sadd.s32 s1, s22;
	s8 =	sshll.u32 s8, $0x3  }
0x11: {  	v3 =	vimm.s32 $0x54761032;
	v4 =	vimm.s32 $0xBA98FEDC;
	v5 =	vimm.s32 $0xFEDCBA98;
	s16 =	sadd.s32 s0, s25;
	s17 =	sadd.s32 s6, s25;
	s18 =	sadd.s32 s1, s25  }
0x12: {  	v6 =	vimm.s32 $0x32107654;
	v7 =	vimm.s32 $0x76543210;
	v0 =	vunpack.c.l.s4.s8 v0;
	s20 =	smax.u32 s9, $0x1;
	s21 =	simm.s32 $0x2;
	[dreg:$0x9] =	wrdreg s12  }
0x13: {  	v1 =	vunpack.c.l.s4.s8 v1;
	v2 =	vunpack.c.l.s4.s8 v2;
	v3 =	vunpack.c.l.s4.s8 v3;
	s22 =	simm.s32 $0x100;
	s25 =	simm.s32 $0x180;
	[dreg:$0xa] =	wrdreg s23  }
0x14: {  	v5 =	vunpack.c.l.s4.s8 v5;
	v4 =	vunpack.c.l.s4.s8 v4;
	v6 =	vunpack.c.l.s4.s8 v6;
	s9 =	simm.s32 $0x0;
	[dreg:$0xb] =	wrdreg s10;
	s24 =	sshrl.u32 s19, $0x3  }
0x15: {  	v7 =	vunpack.c.l.s4.s8 v7;
	v0 =	vunpack.c.0.s8.s32 v0;
	v1 =	vunpack.c.0.s8.s32 v1;
	s8 =	sadd.s32 s7, s8;
	s26 =	sshll.u32 s19, $0x3;
	s23 =	simm.s32 $0x200  }
0x16: {  	v2 =	vunpack.c.0.s8.s32 v2;
	v3 =	vunpack.c.0.s8.s32 v3;
	v5 =	vunpack.c.0.s8.s32 v5;
	[dreg:$0xc] =	wrdreg s8;
	s13 =	sadd.s32 s0, s24;
	s14 =	sadd.s32 s6, s24  }
0x17: {  	v4 =	vunpack.c.0.s8.s32 v4;
	v6 =	vunpack.c.0.s8.s32 v6;
	v7 =	vunpack.c.0.s8.s32 v7;
	s15 =	sadd.s32 s1, s24;
	s19 =	sadd.s32 s7, s26;
	s24 =	simm.s32 $0x80  }
0x18: {  	v0 =	vcombine.low v1, v0;
	v1 =	vcombine.low v3, v2;
	v3 =	vand.u32 $0xF, v5;
	s26 =	simm.s32 $0x280;
	s0 =	simm.s32 $0x2300;
	s1 =	simm.s32 $0x6300  }
0x19: {  	v2 =	vcombine.low v6, v4;
	v3 =	vcombine.low v3, v7;
	s6 =	simm.s32 $0xA300;
	s7 =	simm.s32 $0xE300;
	s8 =	simm.s32 $0x1  }
.LBB2_1:
0x1a: {  	s10 =	rddreg [dreg:$0x6]  }
0x1b: {  	[tilespmem:s2], [sflag:$0x2] =	stream.linear.gather [hbm4b:s10+s2], $0x80, $0x38;
	[tilespmem:$0x10300] =	vst v63  }
0x1c: {  	_ =	swait.ge [sflag:s21], $0x80  }
0x1d: {  	[sflag:s21] =	ssyncset.done $0x0  }
0x1e: {  	s12 =	rddreg [dreg:$0x7];
	[sflag:s21] =	ssyncadd.s32 $0xFFFFFF80  }
0x1f: {  	[tilespmem:s22], [sflag:$0x2] =	stream.linear.gather [hbm4b:s12+s2], $0x80, $0x38;
	[tilespmem:$0x10300] =	vst v63  }
0x20: {  	_ =	swait.ge [sflag:s21], $0x80  }
0x21: {  	[sflag:s21] =	ssyncset.done $0x0  }
0x22: {  	s11 =	rddreg [dreg:$0x8];
	[sflag:s21] =	ssyncadd.s32 $0xFFFFFF80  }
0x23: {  	[tilespmem:s23], [sflag:$0x2] =	stream.linear.gather [hbm4b:s11+s2], $0x80, $0x38;
	[tilespmem:$0x10300] =	vst v63  }
0x24: {  	_ =	swait.ge [sflag:s21], $0x80  }
0x25: {  	[sflag:s21] =	ssyncset.done $0x0  }
0x26: {  	s12 =	rddreg [dreg:$0x9];
	[sflag:s21] =	ssyncadd.s32 $0xFFFFFF80  }
0x27: {  	[tilespmem:s24], [sflag:$0x2] =	stream.linear.gather [hbm4b:s12+s2], $0x80, $0x38;
	[tilespmem:$0x10300] =	vst v63  }
0x28: {  	_ =	swait.ge [sflag:s21], $0x80  }
0x29: {  	[sflag:s21] =	ssyncset.done $0x0  }
0x2a: {  	s11 =	rddreg [dreg:$0xa];
	[sflag:s21] =	ssyncadd.s32 $0xFFFFFF80  }
0x2b: {  	[tilespmem:s25], [sflag:$0x2] =	stream.linear.gather [hbm4b:s11+s2], $0x80, $0x38;
	[tilespmem:$0x10300] =	vst v63  }
0x2c: {  	_ =	swait.ge [sflag:s21], $0x80  }
0x2d: {  	[sflag:s21] =	ssyncset.done $0x0  }
0x2e: {  	s12 =	rddreg [dreg:$0xb];
	[sflag:s21] =	ssyncadd.s32 $0xFFFFFF80  }
0x2f: {  	[tilespmem:s26], [sflag:$0x2] =	stream.linear.gather [hbm4b:s12+s2], $0x80, $0x38;
	[tilespmem:$0x10300] =	vst v63  }
0x30: {  	_ =	swait.ge [sflag:s21], $0x80  }
0x31: {  	[sflag:s21] =	ssyncset.done $0x0  }
0x32: {  	[sflag:s21] =	ssyncadd.s32 $0xFFFFFF80  }
0x33: {  	[tilespmem:s28], [sflag:$0x1] =	stream.indirect.gather [hbm4b:s3+s24], $0x40, s2, s24, $0xb8;
	[tilespmem:$0x10300] =	vst v63  }
0x34: {  	_ = 	snop  }
0x35: {  	[tilespmem:s29], [sflag:$0x1] =	stream.indirect.gather [hbm4b:s3+s24], $0x40, s22, s24, $0xb8;
	[tilespmem:$0x10300] =	vst v63  }
0x36: {  	_ = 	snop  }
0x37: {  	[tilespmem:s30], [sflag:$0x1] =	stream.indirect.gather [hbm4b:s4+s24], $0x40, s23, s24, $0xb8;
	[tilespmem:$0x10300] =	vst v63  }
0x38: {  	_ = 	snop  }
0x39: {  	[tilespmem:s31], [sflag:$0x1] =	stream.indirect.gather [hbm4b:s5+s24], $0x40, s23, s24, $0xb8;
	[tilespmem:$0x10300] =	vst v63  }
0x3a: {  	_ = 	snop  }
0x3b: {  	[tilespmem:s0], [sflag:$0x1] =	stream.indirect.gather [hbm4b:s3+s24], $0x40, s24, s24, $0xb8;
	[tilespmem:$0x10300] =	vst v63  }
0x3c: {  	_ = 	snop  }
0x3d: {  	[tilespmem:s1], [sflag:$0x1] =	stream.indirect.gather [hbm4b:s3+s24], $0x40, s25, s24, $0xb8;
	[tilespmem:$0x10300] =	vst v63  }
0x3e: {  	_ = 	snop  }
0x3f: {  	[tilespmem:s6], [sflag:$0x1] =	stream.indirect.gather [hbm4b:s4+s24], $0x40, s26, s24, $0xb8;
	[tilespmem:$0x10300] =	vst v63  }
0x40: {  	_ = 	snop  }
0x41: {  	[tilespmem:s7], [sflag:$0x1] =	stream.indirect.gather [hbm4b:s5+s24], $0x40, s26, s24, $0xb8;
	[tilespmem:$0x10300] =	vst v63  }
0x42: {  	_ =	swait.ge [sflag:s8], $0x2000  }
0x43: {  	[sflag:s8] =	ssyncset.done $0x0  }
0x44: {  	[sflag:s8] =	ssyncadd.s32 $0xFFFFE000  }
0x45: {  	_ =	swait.ge [sflag:s8], $0x2000  }
0x46: {  	[sflag:s8] =	ssyncset.done $0x0  }
0x47: {  	[sflag:s8] =	ssyncadd.s32 $0xFFFFE000  }
0x48: {  	_ =	swait.ge [sflag:s8], $0x2000  }
0x49: {  	[sflag:s8] =	ssyncset.done $0x0  }
0x4a: {  	[sflag:s8] =	ssyncadd.s32 $0xFFFFE000  }
0x4b: {  	_ =	swait.ge [sflag:s8], $0x2000  }
0x4c: {  	[sflag:s8] =	ssyncset.done $0x0  }
0x4d: {  	[sflag:s8] =	ssyncadd.s32 $0xFFFFE000  }
0x4e: {  	_ =	swait.ge [sflag:s8], $0x2000  }
0x4f: {  	[sflag:s8] =	ssyncset.done $0x0  }
0x50: {  	[sflag:s8] =	ssyncadd.s32 $0xFFFFE000  }
0x51: {  	_ =	swait.ge [sflag:s8], $0x2000  }
0x52: {  	[sflag:s8] =	ssyncset.done $0x0  }
0x53: {  	[sflag:s8] =	ssyncadd.s32 $0xFFFFE000  }
0x54: {  	_ =	swait.ge [sflag:s8], $0x2000  }
0x55: {  	[sflag:s8] =	ssyncset.done $0x0  }
0x56: {  	[sflag:s8] =	ssyncadd.s32 $0xFFFFE000  }
0x57: {  	_ =	swait.ge [sflag:s8], $0x2000  }
0x58: {  	[sflag:s8] =	ssyncset.done $0x0  }
0x59: {  	s10 =	simm.s32 $0x0;
	[sflag:s8] =	ssyncadd.s32 $0xFFFFE000  }
0x5a: {  	v4 =	vld [tilespmem:s10+$0xC300]  }
0x5b: {  	v10 =	vld [tilespmem:s10+$0x4320]  }
0x5c: {  	v7 =	vld [tilespmem:s10+$0x4310]  }
0x5d: {  	v12 =	vld [tilespmem:s10+$0x4330]  }
0x5e: {  	v8 =	vld [tilespmem:s10+$0x4300]  }
0x5f: {  	v9 =	vld [tilespmem:s10+$0x300]  }
0x60: {  	v11 =	vld [tilespmem:s10+$0x310]  }
0x61: {  	v5 =	vld [tilespmem:s10+$0xC310]  }
0x62: {  	v13 =	vld [tilespmem:s10+$0x320]  }
0x63: {  	v6 =	vld [tilespmem:s10+$0xC320]  }
0x64: {  	v14 =	vld [tilespmem:s10+$0x330]  }
0x65: {  	v8 =	vsub.f32 v9, v8;
	v9 =	vsub.f32 v11, v7  }
0x66: {  	v7 =	vld [tilespmem:s10+$0xC330]  }
0x67: {  	v11 =	vsub.f32 v13, v10;
	v15 =	vmul.f32 v4, v8;
	v13 =	vmul.f32 v5, v9;
	_ =	sdelay $0x1  }
0x68: {  	v10 =	vsub.f32 v14, v12;
	v12 =	vadd.f32 v13, v15;
	v13 =	vmul.f32 v6, v11;
	_ =	sdelay $0x1  }
0x69: {  	v12 =	vadd.f32 v13, v12;
	v13 =	vmul.f32 v7, v10;
	_ =	sdelay $0x1  }
0x6a: {  	v12 =	vadd.f32 v13, v12;
	_ =	sdelay $0x1  }
0x6b: {  	v13 =	vperm.xlane v12, v0;
	_ =	sdelay $0x1  }
0x6c: {  	v12 =	vadd.f32 v12, v13;
	_ =	sdelay $0x1  }
0x6d: {  	v13 =	vperm.xlane v12, v1;
	_ =	sdelay $0x1  }
0x6e: {  	v12 =	vadd.f32 v12, v13;
	_ =	sdelay $0x1  }
0x6f: {  	v13 =	vperm.xlane v12, v2  }
0x70: {  	v14 =	vld [tilespmem:s10+$0x8300]  }
0x71: {  	v15 =	vld [tilespmem:s10+$0x8310];
	v16 =	vadd.f32 v12, v13  }
0x72: {  	v13 =	vld [tilespmem:s10+$0x8320]  }
0x73: {  	s11 =	simm.s32 $0x100;
	v12 =	vld [tilespmem:s10+$0x8330];
	v17 =	vperm.xlane v16, v3  }
.LBB2_2:
0x74: {  	_ = 	snop  }
0x75: {  	p0 =	sne.s32 s11, $0xFF00;
	s12 =	smov.u32 s11;
	s11 =	sadd.s32 $0x100, s11;
	v16 =	vadd.f32 v16, v17  }
0x76: {  	s12 =	sshra.s32 s12, $0x2;
	v8 =	vadd.f32 v14, v8;
	v9 =	vadd.f32 v15, v9  }
0x77: {  	v14 =	vmul.f32 v16, v4;
	v4 =	vld [tilespmem:s12+$0xC300];
	v5 =	vmul.f32 v16, v5;
	v11 =	vadd.f32 v13, v11  }
0x78: {  	v6 =	vmul.f32 v16, v6;
	v7 =	vmul.f32 v16, v7;
	v13 =	vld [tilespmem:s12+$0x4320];
	v10 =	vadd.f32 v12, v10  }
0x79: {  	v12 =	vld [tilespmem:s12+$0x4310];
	v8 =	vsub.f32 v8, v14;
	v5 =	vsub.f32 v9, v5  }
0x7a: {  	v6 =	vsub.f32 v11, v6;
	v14 =	vld [tilespmem:s12+$0x4330];
	v7 =	vsub.f32 v10, v7  }
0x7b: {  	v9 =	vld [tilespmem:s12+$0x4300];
	[tilespmem:s10+$0x300] =	vst v8  }
0x7c: {  	v8 =	vld [tilespmem:s12+$0x300];
	[tilespmem:s10+$0x310] =	vst v5  }
0x7d: {  	v10 =	vld [tilespmem:s12+$0x310];
	[tilespmem:s10+$0x320] =	vst v6  }
0x7e: {  	v5 =	vld [tilespmem:s12+$0xC310];
	[tilespmem:s10+$0x330] =	vst v7;
	s10 =	smov.u32 s12  }
0x7f: {  	v11 =	vld [tilespmem:s10+$0x320]  }
0x80: {  	v6 =	vld [tilespmem:s10+$0xC320]  }
0x81: {  	v8 =	vsub.f32 v8, v9;
	v15 =	vld [tilespmem:s10+$0x330]  }
0x82: {  	v9 =	vsub.f32 v10, v12  }
0x83: {  	v7 =	vld [tilespmem:s10+$0xC330];
	v12 =	vmul.f32 v4, v8  }
0x84: {  	v11 =	vsub.f32 v11, v13;
	v13 =	vmul.f32 v5, v9;
	_ =	sdelay $0x1  }
0x85: {  	v10 =	vsub.f32 v15, v14;
	v12 =	vadd.f32 v13, v12;
	v13 =	vmul.f32 v6, v11;
	_ =	sdelay $0x1  }
0x86: {  	v12 =	vadd.f32 v13, v12;
	v13 =	vmul.f32 v7, v10;
	_ =	sdelay $0x1  }
0x87: {  	v12 =	vadd.f32 v13, v12;
	_ =	sdelay $0x1  }
0x88: {  	v13 =	vperm.xlane v12, v0;
	_ =	sdelay $0x1  }
0x89: {  	v12 =	vadd.f32 v12, v13;
	_ =	sdelay $0x1  }
0x8a: {  	v13 =	vperm.xlane v12, v1;
	_ =	sdelay $0x1  }
0x8b: {  	v12 =	vadd.f32 v12, v13;
	_ =	sdelay $0x1  }
.Ltmp0:
0x8c: {  	v13 =	vperm.xlane v12, v2;
	(pc) =	sbr.rel @p0 .LBB2_2-.Ltmp0, $4  }
0x8d: {  	v14 =	vld [tilespmem:s10+$0x8300]  }
0x8e: {  	v16 =	vadd.f32 v12, v13;
	v15 =	vld [tilespmem:s10+$0x8310]  }
0x8f: {  	v13 =	vld [tilespmem:s10+$0x8320]  }
0x90: {  	v17 =	vperm.xlane v16, v3;
	v12 =	vld [tilespmem:s10+$0x8330]  }
0x91: {  	_ = 	snop  }
0x92: {  	v16 =	vadd.f32 v16, v17;
	_ =	sdelay $0x1  }
0x93: {  	v8 =	vadd.f32 v14, v8;
	v4 =	vmul.f32 v16, v4  }
0x94: {  	v9 =	vadd.f32 v15, v9;
	v5 =	vmul.f32 v16, v5  }
0x95: {  	v11 =	vadd.f32 v13, v11;
	v6 =	vmul.f32 v16, v6;
	v4 =	vsub.f32 v8, v4  }
0x96: {  	v7 =	vmul.f32 v16, v7;
	v8 =	vadd.f32 v12, v10;
	v5 =	vsub.f32 v9, v5  }
0x97: {  	v6 =	vsub.f32 v11, v6;
	[tilespmem:s10+$0x300] =	vst v4  }
0x98: {  	v4 =	vsub.f32 v8, v7;
	[tilespmem:s10+$0x310] =	vst v5  }
0x99: {  	[tilespmem:s10+$0x320] =	vst v6  }
0x9a: {  	s12 =	simm.s32 $0x0;
	s11 =	rddreg [dreg:$0xc];
	[tilespmem:s10+$0x330] =	vst v4  }
0x9b: {  	[hbm4b:s11+s12] =	stream.linear.scatter [tilespmem:s28], [sflag:$0x2], $0x4000, $0x38;
	[tilespmem:$0x10300] =	vst v63  }
0x9c: {  	_ =	swait.ge [sflag:s21], $0x4000  }
0x9d: {  	[sflag:s21] =	ssyncset.done $0x0  }
0x9e: {  	[sflag:s21] =	ssyncadd.s32 $0xFFFFC000  }
0x9f: {  	[tilespmem:s12], [sflag:$0x2] =	stream.linear.gather [hbm4b:s13+s12], $0x80, $0x38;
	[tilespmem:$0x10300] =	vst v63  }
0xa0: {  	_ =	swait.ge [sflag:s21], $0x80  }
0xa1: {  	[sflag:s21] =	ssyncset.done $0x0  }
0xa2: {  	[sflag:s21] =	ssyncadd.s32 $0xFFFFFF80  }
0xa3: {  	[tilespmem:s22], [sflag:$0x2] =	stream.linear.gather [hbm4b:s14+s12], $0x80, $0x38;
	[tilespmem:$0x10300] =	vst v63  }
0xa4: {  	_ =	swait.ge [sflag:s21], $0x80  }
0xa5: {  	[sflag:s21] =	ssyncset.done $0x0  }
0xa6: {  	[sflag:s21] =	ssyncadd.s32 $0xFFFFFF80  }
0xa7: {  	[tilespmem:s23], [sflag:$0x2] =	stream.linear.gather [hbm4b:s15+s12], $0x80, $0x38;
	[tilespmem:$0x10300] =	vst v63  }
0xa8: {  	_ =	swait.ge [sflag:s21], $0x80  }
0xa9: {  	[sflag:s21] =	ssyncset.done $0x0  }
0xaa: {  	[sflag:s21] =	ssyncadd.s32 $0xFFFFFF80  }
0xab: {  	[tilespmem:s24], [sflag:$0x2] =	stream.linear.gather [hbm4b:s16+s12], $0x80, $0x38;
	[tilespmem:$0x10300] =	vst v63  }
0xac: {  	_ =	swait.ge [sflag:s21], $0x80  }
0xad: {  	[sflag:s21] =	ssyncset.done $0x0  }
0xae: {  	[sflag:s21] =	ssyncadd.s32 $0xFFFFFF80  }
0xaf: {  	[tilespmem:s25], [sflag:$0x2] =	stream.linear.gather [hbm4b:s17+s12], $0x80, $0x38;
	[tilespmem:$0x10300] =	vst v63  }
0xb0: {  	_ =	swait.ge [sflag:s21], $0x80  }
0xb1: {  	[sflag:s21] =	ssyncset.done $0x0  }
0xb2: {  	[sflag:s21] =	ssyncadd.s32 $0xFFFFFF80  }
0xb3: {  	[tilespmem:s26], [sflag:$0x2] =	stream.linear.gather [hbm4b:s18+s12], $0x80, $0x38;
	[tilespmem:$0x10300] =	vst v63  }
0xb4: {  	_ =	swait.ge [sflag:s21], $0x80  }
0xb5: {  	[sflag:s21] =	ssyncset.done $0x0  }
0xb6: {  	[sflag:s21] =	ssyncadd.s32 $0xFFFFFF80  }
0xb7: {  	[tilespmem:s28], [sflag:$0x1] =	stream.indirect.gather [hbm4b:s3+s24], $0x40, s12, s24, $0xb8;
	[tilespmem:$0x10300] =	vst v63  }
0xb8: {  	_ = 	snop  }
0xb9: {  	[tilespmem:s29], [sflag:$0x1] =	stream.indirect.gather [hbm4b:s3+s24], $0x40, s22, s24, $0xb8;
	[tilespmem:$0x10300] =	vst v63  }
0xba: {  	_ = 	snop  }
0xbb: {  	[tilespmem:s30], [sflag:$0x1] =	stream.indirect.gather [hbm4b:s4+s24], $0x40, s23, s24, $0xb8;
	[tilespmem:$0x10300] =	vst v63  }
0xbc: {  	_ = 	snop  }
0xbd: {  	[tilespmem:s31], [sflag:$0x1] =	stream.indirect.gather [hbm4b:s5+s24], $0x40, s23, s24, $0xb8;
	[tilespmem:$0x10300] =	vst v63  }
0xbe: {  	_ = 	snop  }
0xbf: {  	[tilespmem:s0], [sflag:$0x1] =	stream.indirect.gather [hbm4b:s3+s24], $0x40, s24, s24, $0xb8;
	[tilespmem:$0x10300] =	vst v63  }
0xc0: {  	_ = 	snop  }
0xc1: {  	[tilespmem:s1], [sflag:$0x1] =	stream.indirect.gather [hbm4b:s3+s24], $0x40, s25, s24, $0xb8;
	[tilespmem:$0x10300] =	vst v63  }
0xc2: {  	_ = 	snop  }
0xc3: {  	[tilespmem:s6], [sflag:$0x1] =	stream.indirect.gather [hbm4b:s4+s24], $0x40, s26, s24, $0xb8;
	[tilespmem:$0x10300] =	vst v63  }
0xc4: {  	_ = 	snop  }
0xc5: {  	[tilespmem:s7], [sflag:$0x1] =	stream.indirect.gather [hbm4b:s5+s24], $0x40, s26, s24, $0xb8;
	[tilespmem:$0x10300] =	vst v63  }
0xc6: {  	_ =	swait.ge [sflag:s8], $0x2000  }
0xc7: {  	[sflag:s8] =	ssyncset.done $0x0  }
0xc8: {  	[sflag:s8] =	ssyncadd.s32 $0xFFFFE000  }
0xc9: {  	_ =	swait.ge [sflag:s8], $0x2000  }
0xca: {  	[sflag:s8] =	ssyncset.done $0x0  }
0xcb: {  	[sflag:s8] =	ssyncadd.s32 $0xFFFFE000  }
0xcc: {  	_ =	swait.ge [sflag:s8], $0x2000  }
0xcd: {  	[sflag:s8] =	ssyncset.done $0x0  }
0xce: {  	[sflag:s8] =	ssyncadd.s32 $0xFFFFE000  }
0xcf: {  	_ =	swait.ge [sflag:s8], $0x2000  }
0xd0: {  	[sflag:s8] =	ssyncset.done $0x0  }
0xd1: {  	[sflag:s8] =	ssyncadd.s32 $0xFFFFE000  }
0xd2: {  	_ =	swait.ge [sflag:s8], $0x2000  }
0xd3: {  	[sflag:s8] =	ssyncset.done $0x0  }
0xd4: {  	[sflag:s8] =	ssyncadd.s32 $0xFFFFE000  }
0xd5: {  	_ =	swait.ge [sflag:s8], $0x2000  }
0xd6: {  	[sflag:s8] =	ssyncset.done $0x0  }
0xd7: {  	[sflag:s8] =	ssyncadd.s32 $0xFFFFE000  }
0xd8: {  	_ =	swait.ge [sflag:s8], $0x2000  }
0xd9: {  	[sflag:s8] =	ssyncset.done $0x0  }
0xda: {  	[sflag:s8] =	ssyncadd.s32 $0xFFFFE000  }
0xdb: {  	_ =	swait.ge [sflag:s8], $0x2000  }
0xdc: {  	[sflag:s8] =	ssyncset.done $0x0  }
0xdd: {  	s10 =	simm.s32 $0x0;
	[sflag:s8] =	ssyncadd.s32 $0xFFFFE000  }
0xde: {  	v4 =	vld [tilespmem:s10+$0xC300]  }
0xdf: {  	v10 =	vld [tilespmem:s10+$0x4320]  }
0xe0: {  	v7 =	vld [tilespmem:s10+$0x4310]  }
0xe1: {  	v12 =	vld [tilespmem:s10+$0x4330]  }
0xe2: {  	v8 =	vld [tilespmem:s10+$0x4300]  }
0xe3: {  	v9 =	vld [tilespmem:s10+$0x300]  }
0xe4: {  	v11 =	vld [tilespmem:s10+$0x310]  }
0xe5: {  	v5 =	vld [tilespmem:s10+$0xC310]  }
0xe6: {  	v13 =	vld [tilespmem:s10+$0x320]  }
0xe7: {  	v6 =	vld [tilespmem:s10+$0xC320]  }
0xe8: {  	v14 =	vld [tilespmem:s10+$0x330]  }
0xe9: {  	v8 =	vsub.f32 v9, v8;
	v9 =	vsub.f32 v11, v7  }
0xea: {  	v7 =	vld [tilespmem:s10+$0xC330]  }
0xeb: {  	v11 =	vsub.f32 v13, v10;
	v15 =	vmul.f32 v4, v8;
	v13 =	vmul.f32 v5, v9;
	_ =	sdelay $0x1  }
0xec: {  	v10 =	vsub.f32 v14, v12;
	v12 =	vadd.f32 v13, v15;
	v13 =	vmul.f32 v6, v11;
	_ =	sdelay $0x1  }
0xed: {  	v12 =	vadd.f32 v13, v12;
	v13 =	vmul.f32 v7, v10;
	_ =	sdelay $0x1  }
0xee: {  	v12 =	vadd.f32 v13, v12;
	_ =	sdelay $0x1  }
0xef: {  	v13 =	vperm.xlane v12, v0;
	_ =	sdelay $0x1  }
0xf0: {  	v12 =	vadd.f32 v12, v13;
	_ =	sdelay $0x1  }
0xf1: {  	v13 =	vperm.xlane v12, v1;
	_ =	sdelay $0x1  }
0xf2: {  	v12 =	vadd.f32 v12, v13;
	_ =	sdelay $0x1  }
0xf3: {  	v13 =	vperm.xlane v12, v2  }
0xf4: {  	v14 =	vld [tilespmem:s10+$0x8300]  }
0xf5: {  	v15 =	vld [tilespmem:s10+$0x8310];
	v16 =	vadd.f32 v12, v13  }
0xf6: {  	v13 =	vld [tilespmem:s10+$0x8320]  }
0xf7: {  	s11 =	simm.s32 $0x100;
	v12 =	vld [tilespmem:s10+$0x8330];
	v17 =	vperm.xlane v16, v3  }
.LBB2_4:
0xf8: {  	_ = 	snop  }
0xf9: {  	p0 =	sne.s32 s11, $0xFF00;
	s12 =	smov.u32 s11;
	s11 =	sadd.s32 $0x100, s11;
	v16 =	vadd.f32 v16, v17  }
0xfa: {  	s12 =	sshra.s32 s12, $0x2;
	v8 =	vadd.f32 v14, v8;
	v9 =	vadd.f32 v15, v9  }
0xfb: {  	v14 =	vmul.f32 v16, v4;
	v4 =	vld [tilespmem:s12+$0xC300];
	v5 =	vmul.f32 v16, v5;
	v11 =	vadd.f32 v13, v11  }
0xfc: {  	v6 =	vmul.f32 v16, v6;
	v7 =	vmul.f32 v16, v7;
	v13 =	vld [tilespmem:s12+$0x4320];
	v10 =	vadd.f32 v12, v10  }
0xfd: {  	v12 =	vld [tilespmem:s12+$0x4310];
	v8 =	vsub.f32 v8, v14;
	v5 =	vsub.f32 v9, v5  }
0xfe: {  	v6 =	vsub.f32 v11, v6;
	v14 =	vld [tilespmem:s12+$0x4330];
	v7 =	vsub.f32 v10, v7  }
0xff: {  	v9 =	vld [tilespmem:s12+$0x4300];
	[tilespmem:s10+$0x300] =	vst v8  }
0x100: {  	v8 =	vld [tilespmem:s12+$0x300];
	[tilespmem:s10+$0x310] =	vst v5  }
0x101: {  	v10 =	vld [tilespmem:s12+$0x310];
	[tilespmem:s10+$0x320] =	vst v6  }
0x102: {  	v5 =	vld [tilespmem:s12+$0xC310];
	[tilespmem:s10+$0x330] =	vst v7;
	s10 =	smov.u32 s12  }
0x103: {  	v11 =	vld [tilespmem:s10+$0x320]  }
0x104: {  	v6 =	vld [tilespmem:s10+$0xC320]  }
0x105: {  	v8 =	vsub.f32 v8, v9;
	v15 =	vld [tilespmem:s10+$0x330]  }
0x106: {  	v9 =	vsub.f32 v10, v12  }
0x107: {  	v7 =	vld [tilespmem:s10+$0xC330];
	v12 =	vmul.f32 v4, v8  }
0x108: {  	v11 =	vsub.f32 v11, v13;
	v13 =	vmul.f32 v5, v9;
	_ =	sdelay $0x1  }
0x109: {  	v10 =	vsub.f32 v15, v14;
	v12 =	vadd.f32 v13, v12;
	v13 =	vmul.f32 v6, v11;
	_ =	sdelay $0x1  }
0x10a: {  	v12 =	vadd.f32 v13, v12;
	v13 =	vmul.f32 v7, v10;
	_ =	sdelay $0x1  }
0x10b: {  	v12 =	vadd.f32 v13, v12;
	_ =	sdelay $0x1  }
0x10c: {  	v13 =	vperm.xlane v12, v0;
	_ =	sdelay $0x1  }
0x10d: {  	v12 =	vadd.f32 v12, v13;
	_ =	sdelay $0x1  }
0x10e: {  	v13 =	vperm.xlane v12, v1;
	_ =	sdelay $0x1  }
0x10f: {  	v12 =	vadd.f32 v12, v13;
	_ =	sdelay $0x1  }
.Ltmp1:
0x110: {  	v13 =	vperm.xlane v12, v2;
	(pc) =	sbr.rel @p0 .LBB2_4-.Ltmp1, $4  }
0x111: {  	v14 =	vld [tilespmem:s10+$0x8300]  }
0x112: {  	v16 =	vadd.f32 v12, v13;
	v15 =	vld [tilespmem:s10+$0x8310]  }
0x113: {  	v13 =	vld [tilespmem:s10+$0x8320]  }
0x114: {  	v17 =	vperm.xlane v16, v3;
	v12 =	vld [tilespmem:s10+$0x8330]  }
0x115: {  	_ = 	snop  }
0x116: {  	v16 =	vadd.f32 v16, v17;
	_ =	sdelay $0x1  }
0x117: {  	v8 =	vadd.f32 v14, v8;
	v4 =	vmul.f32 v16, v4  }
0x118: {  	v9 =	vadd.f32 v15, v9;
	v5 =	vmul.f32 v16, v5  }
0x119: {  	v11 =	vadd.f32 v13, v11;
	v6 =	vmul.f32 v16, v6;
	v4 =	vsub.f32 v8, v4  }
0x11a: {  	v7 =	vmul.f32 v16, v7;
	v63 =	vadd.f32 v12, v10;
	v5 =	vsub.f32 v9, v5  }
0x11b: {  	v6 =	vsub.f32 v11, v6;
	[tilespmem:s10+$0x300] =	vst v4  }
0x11c: {  	s9 =	sadd.s32 $0x1, s9;
	v4 =	vsub.f32 v63, v7;
	[tilespmem:s10+$0x310] =	vst v5  }
0x11d: {  	p0 =	sne.s32 s9, s20;
	[tilespmem:s10+$0x320] =	vst v6  }
.Ltmp2:
0x11e: {  	[tilespmem:s10+$0x330] =	vst v4;
	(pc) =	sbr.rel @p0 .LBB2_1-.Ltmp2, $4  }
0x11f: {  	[hbm4b:s19+s2] =	stream.linear.scatter [tilespmem:s28], [sflag:$0x2], $0x4000, $0x38;
	[tilespmem:$0x10300] =	vst v63  }
0x120: {  	_ =	swait.ge [sflag:s21], $0x4000  }
0x121: {  	[sflag:s21] =	ssyncset.done $0x0  }
0x122: {  	[sflag:s21] =	ssyncadd.s32 $0xFFFFC000  }
0x123: {  	_ =	sfence.sel $0x180000  }
0x124: {  	[bflag:$0x0] =	sbarrier.arrive $0xFFFF  }
0x125: {  	_ =	strace $0x90000047  }
0x126: {  	s0 =	stileid.u32;
	[bflag:$0x2] =	sbarrier.arrive $0xFFFF  }
0x127: {  	p0 =	sne.s32 s0, $0x0;
	s0 =	rddreg [dreg:$0x5]  }
0x128: {  	s0 =	sadd.s32 @!p0 $0x100000, s0  }
0x129: {  	[sflag:s0] =	ssyncadd.tile.s32 @!p0 $0x1;
	_ =	shalt  }
.Lfunc_end2:
_tile_overlayer_lowered:
.L_overlay_start_2:
0x12a: {  	(tag) =	ssettag $0x2  }
0x12b: {  	s0 =	rddreg [dreg:$0x0];
	s2 =	stileid.u32  }
0x12c: {  	s1 =	rddreg [dreg:$0x1];
	p0 =	sne.s32 s2, $0x0  }
0x12d: {  	s3 =	rddreg [dreg:$0x2];
	[bflag:$0x3] =	sbarrier.arrive $0xFFFF;
	s2 =	simm.s32 @!p0 $0x1C02  }
0x12e: {  	[timem:s3], [sflag:s2] =	dma.local @!p0 [hbm:s0], s1  }
0x12f: {  	s0 =	simm.s32 @!p0 $0x2  }
0x130: {  	_ =	swait.ge @!p0 [sflag:s0], s1  }
0x131: {  	s1 =	ssub.s32 @!p0 $0x0, s1;
	[sflag:s0] =	ssyncset.done @!p0 $0x0  }
0x132: {  	[sflag:s0] =	ssyncadd.s32 @!p0 s1  }
0x133: {  	[bflag:$0x3] =	sbarrier.arrive $0xFFFF  }
0x134: {  	_ =	shalt  }

</sc_bundles>
